<compile_context>
chip_gen: v7x
topology: tpu7x:2x2x1
jax: 0.10.2.dev20260603
libtpu: 0.0.44.dev20260713+nightly
codegen_flags: <defaults>
</compile_context>

<pallas_src>
import functools

import jax
import jax.numpy as jnp
from jax import lax
from jax.experimental import pallas as pl
from jax.experimental.pallas import tpu as pltpu
from jax.experimental.pallas import tpu_sc as plsc

_MAXREL = 16
_NIDX = 2 * _MAXREL + 1
_NPAD = 40


def _scores_body(q_ref, tab_ref, o_ref):
    o_ref[...] = jax.lax.dot_general(
        q_ref[...], tab_ref[...], (((1,), (1,)), ((), ())),
        preferred_element_type=jnp.float32)


def _make_sc_expand(B, H, Lq, Lk):
    mesh = plsc.VectorSubcoreMesh(core_axis_name="c", subcore_axis_name="s")
    n_worker = 32
    pairs_per_w = (B * Lq) // n_worker
    q_per_b = Lq
    w_per_b = q_per_b // pairs_per_w
    n_chunk = Lk // 16

    @functools.partial(
        pl.kernel,
        mesh=mesh,
        compiler_params=pltpu.CompilerParams(needs_layout_passes=False),
        out_type=jax.ShapeDtypeStruct((B, H, Lq, Lk), jnp.float32),
        scratch_types=[
            pltpu.VMEM((Lk,), jnp.int32),
            pltpu.VMEM((pairs_per_w * H, _NPAD), jnp.float32),
            pltpu.VMEM((2, H, Lk), jnp.float32),
            pltpu.SemaphoreType.DMA((2,)),
        ],
    )
    def sc_expand(scores_hbm, tids_hbm, out_hbm, t_v, s_v, o_v, sem):
        cid = lax.axis_index("c")
        sid = lax.axis_index("s")
        wid = sid * 2 + cid
        b = wid // w_per_b
        q0 = (wid % w_per_b) * pairs_per_w
        pltpu.sync_copy(tids_hbm.at[b], t_v)
        pltpu.sync_copy(
            scores_hbm.at[pl.ds((b * Lq + q0) * H, pairs_per_w * H)], s_v)

        def do_q(j, carry):
            q = q0 + j
            p = j % 2

            @pl.when(j >= 2)
            def _wait_prev():
                pltpu.make_async_copy(
                    o_v.at[p], out_hbm.at[b, :, q, :], sem.at[p]).wait()

            tq = plsc.load_gather(t_v, [jnp.full((16,), q, jnp.int32)])
            row_ids = [jnp.full((16,), j * H + h, jnp.int32) for h in range(H)]

            @plsc.parallel_loop(0, n_chunk, unroll=2)
            def do_chunk(ci):
                tv = t_v[pl.ds(ci * 16, 16)]
                r = jnp.minimum(jnp.maximum(tv - tq, -_MAXREL),
                                _MAXREL) + _MAXREL
                vals = [plsc.load_gather(s_v, [row_ids[h], r])
                        for h in range(H)]
                for h in range(H):
                    o_v[p, h, pl.ds(ci * 16, 16)] = vals[h]
            pltpu.async_copy(o_v.at[p], out_hbm.at[b, :, q, :], sem.at[p])
            return carry

        lax.fori_loop(0, pairs_per_w, do_q, 0)
        for jj in (pairs_per_w - 2, pairs_per_w - 1):
            pltpu.make_async_copy(
                o_v.at[jj % 2], out_hbm.at[b, :, q0 + jj, :],
                sem.at[jj % 2]).wait()

    return sc_expand


def kernel(query, time_ids, rel_table, k_len):
    B, H, Lq, Dh = query.shape
    Lk = time_ids.shape[1]
    start = k_len - Lk
    t = jax.lax.dynamic_slice_in_dim(time_ids, start, Lk, axis=1)
    t = t.astype(jnp.int32)

    q_flat = query.transpose(0, 2, 1, 3).reshape(B * Lq * H, Dh)
    tab_pad = jnp.zeros((_NPAD, Dh), jnp.float32).at[:_NIDX].set(rel_table)

    scores = pl.pallas_call(
        _scores_body,
        out_shape=jax.ShapeDtypeStruct((B * Lq * H, _NPAD), jnp.float32),
    )(q_flat, tab_pad)

    sc_expand = _make_sc_expand(B, H, Lq, Lk)
    return sc_expand(scores, t)

# --- scband reference (transcript-rebuilt; emitter-appended) ---
"""Pipeline reference for scband-relative-pe-14353780703750 (READ-ONLY COPY).

The authoritative reference and input builder live on the scoring server;
editing this copy changes nothing except your own understanding.
"""

import jax, jax.numpy as jnp
import numpy as np

MAX_REL = 16


def setup_inputs(seed: int = 0) -> dict:
    key = jax.random.key(seed)
    k1, k2, k3 = jax.random.split(key, 3)
    query = jax.random.normal(k1, (8, 12, 32, 64), dtype=jnp.float32)
    time_ids = jnp.sort(jax.random.randint(k2, (8, 2048), 0, 2048), axis=-1)
    rel_table = jax.random.normal(k3, (2 * MAX_REL + 1, 64), dtype=jnp.float32) * 0.02
    return {"query": query, "time_ids": time_ids, "rel_table": rel_table, "k_len": 2048}


def reference(query, time_ids, rel_table, k_len):
    # Faithful port of RelativePE.get_positional_scores (Shaw et al. 2018)
    q_len = query.shape[2]
    k_len_static = time_ids.shape[1]
    start = k_len - k_len_static
    time_ids_slice = jax.lax.dynamic_slice_in_dim(time_ids, start, k_len_static, axis=1)  # (B, Lk)
    time_ids_q = time_ids_slice[:, :q_len][:, :, None]  # (B, Lq, 1)
    time_ids_k = time_ids_slice[:, None, :]              # (B, 1, Lk)
    relative_pos = time_ids_k - time_ids_q               # (B, Lq, Lk)
    clipped_pos = jnp.clip(relative_pos, -MAX_REL, MAX_REL)
    indices = clipped_pos + MAX_REL                      # in [0, 2*MAX_REL]
    rel_embeddings = jnp.take(rel_table, indices, axis=0)  # (B, Lq, Lk, Dh) embedding gather
    positional_scores = jnp.einsum('bhqd,bqkd->bhqk', query, rel_embeddings)
    return positional_scores

if __name__ == "__main__":
    import jax
    _d = setup_inputs()
    print(jax.jit(kernel)(*tuple(_d.values())))

</pallas_src>

<mosaic_0001>
#map = affine_map<(d0, d1) -> (0, 0)>
#map1 = affine_map<(d0, d1) -> (0, 0, 0, 0)>
module attributes {stable_mosaic.version = 14 : i64} {
  func.func @sc_expand(%arg0: i32, %arg1: i32, %arg2: memref<3072x40xf32, #tpu.memory_space<hbm>>, %arg3: memref<8x2048xi32, #tpu.memory_space<hbm>>, %arg4: memref<8x12x32x2048xf32, #tpu.memory_space<hbm>>, %arg5: memref<2048xi32, #tpu.memory_space<vmem>>, %arg6: memref<96x40xf32, #tpu.memory_space<vmem>>, %arg7: memref<2x12x2048xf32, #tpu.memory_space<vmem>>, %arg8: memref<2x!tpu.dma_semaphore, #tpu.memory_space<semaphore_mem>>) attributes {dimension_semantics = [#tpu.dimension_semantics<core_parallel>, #tpu.dimension_semantics<subcore_parallel>], iteration_bounds = array<i64: 2, 16>, scalar_prefetch = 0 : i64, scratch_operands = 4 : i64, tpu.core_type = #tpu.core_type<sc_vector_subcore>, window_params = [{transform_indices = #map}, {transform_indices = #map}, {transform_indices = #map1}]} {
    %mul3A = arith.constant 2 : i32
    %mul3A_0 = arith.muli %arg1, %mul3A : i32
    %add3A = arith.addi %mul3A_0, %arg0 : i32
    %jit3A = arith.constant 4 : i32
    %div3A = arith.divsi %add3A, %jit3A : i32
    %sign3A = arith.constant 0 : i32
    %sign3A_1 = arith.cmpi sgt, %add3A, %sign3A : i32
    %sign3A_2 = arith.extui %sign3A_1 : i1 to i32
    %sign3A_3 = arith.constant 0 : i32
    %sign3A_4 = arith.cmpi slt, %add3A, %sign3A_3 : i32
    %sign3A_5 = arith.extui %sign3A_4 : i1 to i32
    %sign3A_6 = arith.subi %sign3A_2, %sign3A_5 : i32
    %sign3A_7 = arith.constant 0 : i32
    %sign3A_8 = arith.cmpi sgt, %jit3A, %sign3A_7 : i32
    %sign3A_9 = arith.extui %sign3A_8 : i1 to i32
    %sign3A_10 = arith.constant 0 : i32
    %sign3A_11 = arith.cmpi slt, %jit3A, %sign3A_10 : i32
    %sign3A_12 = arith.extui %sign3A_11 : i1 to i32
    %sign3A_13 = arith.subi %sign3A_9, %sign3A_12 : i32
    %ne3A = arith.cmpi ne, %sign3A_6, %sign3A_13 : i32
    %rem3A = arith.remsi %add3A, %jit3A : i32
    %ne3A_14 = arith.constant 0 : i32
    %ne3A_15 = arith.cmpi ne, %rem3A, %ne3A_14 : i32
    %and3A = arith.andi %ne3A, %ne3A_15 : i1
    %sub3A = arith.constant 1 : i32
    %sub3A_16 = arith.subi %div3A, %sub3A : i32
    %select_n3A = arith.select %and3A, %sub3A_16, %div3A : i32
    %jit3A_17 = arith.constant 4 : i32
    %eq3A = arith.constant 0 : i32
    %eq3A_18 = arith.cmpi eq, %jit3A_17, %eq3A : i32
    %jit3A_19 = arith.constant 1 : i32
    %select_n3A_20 = arith.select %eq3A_18, %jit3A_19, %jit3A_17 : i32
    %rem3A_21 = arith.remsi %add3A, %select_n3A_20 : i32
    %ne3A_22 = arith.constant 0 : i32
    %ne3A_23 = arith.cmpi ne, %rem3A_21, %ne3A_22 : i32
    %lt3A = arith.constant 0 : i32
    %lt3A_24 = arith.cmpi slt, %rem3A_21, %lt3A : i32
    %lt3A_25 = arith.constant 0 : i32
    %lt3A_26 = arith.cmpi slt, %select_n3A_20, %lt3A_25 : i32
    %ne3A_27 = arith.xori %lt3A_24, %lt3A_26 : i1
    %and3A_28 = arith.andi %ne3A_27, %ne3A_23 : i1
    %add3A_29 = arith.addi %rem3A_21, %select_n3A_20 : i32
    %select_n3A_30 = arith.select %and3A_28, %add3A_29, %rem3A_21 : i32
    %mul3A_31 = arith.constant 8 : i32
    %mul3A_32 = arith.muli %select_n3A_30, %mul3A_31 : i32
    "tpu.region"() ({
      %run_scoped3A = tpu.sem_alloc : memref<!tpu.dma_semaphore, #tpu.memory_space<semaphore_mem>>
      %dma_start3A = arith.constant 0 : i32
      %dma_start3A_86 = tpu.memref_slice %arg3[%select_n3A, %dma_start3A] : memref<8x2048xi32, #tpu.memory_space<hbm>> -> memref<1x2048xi32, #tpu.memory_space<hbm>>
      %dma_start3A_87 = tpu.memref_squeeze %dma_start3A_86 : memref<1x2048xi32, #tpu.memory_space<hbm>> -> memref<2048xi32, #tpu.memory_space<hbm>>
      %dma_start3A_88 = arith.constant 0 : i32
      %dma_start3A_89 = tpu.memref_slice %arg3[%select_n3A, %dma_start3A_88] : memref<8x2048xi32, #tpu.memory_space<hbm>> -> memref<1x2048xi32, #tpu.memory_space<hbm>>
      %dma_start3A_90 = tpu.memref_squeeze %dma_start3A_89 : memref<1x2048xi32, #tpu.memory_space<hbm>> -> memref<2048xi32, #tpu.memory_space<hbm>>
      tpu.enqueue_dma source(%dma_start3A_90 : memref<2048xi32, #tpu.memory_space<hbm>>) target(%arg5 : memref<2048xi32, #tpu.memory_space<vmem>>) target_semaphore(%run_scoped3A : memref<!tpu.dma_semaphore, #tpu.memory_space<semaphore_mem>>)
      %dma_wait3A_91 = arith.constant 0 : i32
      %dma_wait3A_92 = tpu.memref_slice %arg3[%select_n3A, %dma_wait3A_91] : memref<8x2048xi32, #tpu.memory_space<hbm>> -> memref<1x2048xi32, #tpu.memory_space<hbm>>
      %dma_wait3A_93 = tpu.memref_squeeze %dma_wait3A_92 : memref<1x2048xi32, #tpu.memory_space<hbm>> -> memref<2048xi32, #tpu.memory_space<hbm>>
      %dma_wait3A_94 = arith.constant 0 : i32
      %dma_wait3A_95 = tpu.memref_slice %arg3[%select_n3A, %dma_wait3A_94] : memref<8x2048xi32, #tpu.memory_space<hbm>> -> memref<1x2048xi32, #tpu.memory_space<hbm>>
      %dma_wait3A_96 = tpu.memref_squeeze %dma_wait3A_95 : memref<1x2048xi32, #tpu.memory_space<hbm>> -> memref<2048xi32, #tpu.memory_space<hbm>>
      tpu.wait_dma2 semaphore(%run_scoped3A : memref<!tpu.dma_semaphore, #tpu.memory_space<semaphore_mem>>) src(%dma_wait3A_96 : memref<2048xi32, #tpu.memory_space<hbm>>) dst(%arg5 : memref<2048xi32, #tpu.memory_space<vmem>>)
      tpu.yield
    }) : () -> ()
    %mul3A_33 = arith.constant 32 : i32
    %mul3A_34 = arith.muli %select_n3A, %mul3A_33 : i32
    %add3A_35 = arith.addi %mul3A_34, %mul3A_32 : i32
    %mul3A_36 = arith.constant 12 : i32
    %mul3A_37 = arith.muli %add3A_35, %mul3A_36 : i32
    "tpu.region"() ({
      %run_scoped3A = tpu.sem_alloc : memref<!tpu.dma_semaphore, #tpu.memory_space<semaphore_mem>>
      %dma_start3A = arith.constant 0 : i32
      %dma_start3A_86 = tpu.memref_slice %arg2[%mul3A_37, %dma_start3A] : memref<3072x40xf32, #tpu.memory_space<hbm>> -> memref<96x40xf32, #tpu.memory_space<hbm>>
      %dma_start3A_87 = arith.constant 0 : i32
      %dma_start3A_88 = tpu.memref_slice %arg2[%mul3A_37, %dma_start3A_87] : memref<3072x40xf32, #tpu.memory_space<hbm>> -> memref<96x40xf32, #tpu.memory_space<hbm>>
      tpu.enqueue_dma source(%dma_start3A_88 : memref<96x40xf32, #tpu.memory_space<hbm>>) target(%arg6 : memref<96x40xf32, #tpu.memory_space<vmem>>) target_semaphore(%run_scoped3A : memref<!tpu.dma_semaphore, #tpu.memory_space<semaphore_mem>>)
      %dma_wait3A_89 = arith.constant 0 : i32
      %dma_wait3A_90 = tpu.memref_slice %arg2[%mul3A_37, %dma_wait3A_89] : memref<3072x40xf32, #tpu.memory_space<hbm>> -> memref<96x40xf32, #tpu.memory_space<hbm>>
      %dma_wait3A_91 = arith.constant 0 : i32
      %dma_wait3A_92 = tpu.memref_slice %arg2[%mul3A_37, %dma_wait3A_91] : memref<3072x40xf32, #tpu.memory_space<hbm>> -> memref<96x40xf32, #tpu.memory_space<hbm>>
      tpu.wait_dma2 semaphore(%run_scoped3A : memref<!tpu.dma_semaphore, #tpu.memory_space<semaphore_mem>>) src(%dma_wait3A_92 : memref<96x40xf32, #tpu.memory_space<hbm>>) dst(%arg6 : memref<96x40xf32, #tpu.memory_space<vmem>>)
      tpu.yield
    }) : () -> ()
    %scan3A = arith.constant 0 : i32
    %scan3A_38 = arith.constant 0 : i32
    %scan3A_39 = arith.constant 8 : i32
    %scan3A_40 = arith.addi %scan3A_38, %scan3A_39 : i32
    %scan3A_41 = arith.constant 1 : i32
    scf.for %scan3A_86 = %scan3A_38 to %scan3A_40 step %scan3A_41  : i32 {
      %add3A_87 = arith.addi %mul3A_32, %scan3A_86 : i32
      %jit3A_88 = arith.constant 2 : i32
      %eq3A_89 = arith.constant 0 : i32
      %eq3A_90 = arith.cmpi eq, %jit3A_88, %eq3A_89 : i32
      %jit3A_91 = arith.constant 1 : i32
      %select_n3A_92 = arith.select %eq3A_90, %jit3A_91, %jit3A_88 : i32
      %rem3A_93 = arith.remsi %scan3A_86, %select_n3A_92 : i32
      %ne3A_94 = arith.constant 0 : i32
      %ne3A_95 = arith.cmpi ne, %rem3A_93, %ne3A_94 : i32
      %lt3A_96 = arith.constant 0 : i32
      %lt3A_97 = arith.cmpi slt, %rem3A_93, %lt3A_96 : i32
      %lt3A_98 = arith.constant 0 : i32
      %lt3A_99 = arith.cmpi slt, %select_n3A_92, %lt3A_98 : i32
      %ne3A_100 = arith.xori %lt3A_97, %lt3A_99 : i1
      %and3A_101 = arith.andi %ne3A_100, %ne3A_95 : i1
      %add3A_102 = arith.addi %rem3A_93, %select_n3A_92 : i32
      %select_n3A_103 = arith.select %and3A_101, %add3A_102, %rem3A_93 : i32
      %ge3A = arith.constant 2 : i32
      %ge3A_104 = arith.cmpi sge, %scan3A_86, %ge3A : i32
      %convert_element_type3A = arith.extui %ge3A_104 : i1 to i32
      %cond3A = arith.constant 0 : i32
      %cond3A_105 = arith.cmpi ne, %convert_element_type3A, %cond3A : i32
      scf.if %cond3A_105 {
        %dma_wait3A_185 = arith.constant 0 : i32
        %dma_wait3A_186 = arith.constant 0 : i32
        %dma_wait3A_187 = tpu.memref_slice %arg7[%select_n3A_103, %dma_wait3A_185, %dma_wait3A_186] : memref<2x12x2048xf32, #tpu.memory_space<vmem>> -> memref<1x12x2048xf32, #tpu.memory_space<vmem>>
        %dma_wait3A_188 = tpu.memref_squeeze %dma_wait3A_187 : memref<1x12x2048xf32, #tpu.memory_space<vmem>> -> memref<12x2048xf32, #tpu.memory_space<vmem>>
        %dma_wait3A_189 = arith.constant 0 : i32
        %dma_wait3A_190 = arith.constant 0 : i32
        %dma_wait3A_191 = tpu.memref_slice %arg4[%select_n3A, %dma_wait3A_189, %add3A_87, %dma_wait3A_190] : memref<8x12x32x2048xf32, #tpu.memory_space<hbm>> -> memref<1x12x1x2048xf32, #tpu.memory_space<hbm>>
        %dma_wait3A_192 = tpu.memref_squeeze %dma_wait3A_191 : memref<1x12x1x2048xf32, #tpu.memory_space<hbm>> -> memref<12x2048xf32, #tpu.memory_space<hbm>>
        %dma_wait3A_193 = tpu.memref_slice %arg8[%select_n3A_103] : memref<2x!tpu.dma_semaphore, #tpu.memory_space<semaphore_mem>> -> memref<1x!tpu.dma_semaphore, #tpu.memory_space<semaphore_mem>>
        %dma_wait3A_194 = tpu.memref_squeeze %dma_wait3A_193 : memref<1x!tpu.dma_semaphore, #tpu.memory_space<semaphore_mem>> -> memref<!tpu.dma_semaphore, #tpu.memory_space<semaphore_mem>>
        %dma_wait3A_195 = arith.constant 0 : i32
        %dma_wait3A_196 = arith.constant 0 : i32
        %dma_wait3A_197 = tpu.memref_slice %arg4[%select_n3A, %dma_wait3A_195, %add3A_87, %dma_wait3A_196] : memref<8x12x32x2048xf32, #tpu.memory_space<hbm>> -> memref<1x12x1x2048xf32, #tpu.memory_space<hbm>>
        %dma_wait3A_198 = tpu.memref_squeeze %dma_wait3A_197 : memref<1x12x1x2048xf32, #tpu.memory_space<hbm>> -> memref<12x2048xf32, #tpu.memory_space<hbm>>
        %dma_wait3A_199 = arith.constant 0 : i32
        %dma_wait3A_200 = arith.constant 0 : i32
        %dma_wait3A_201 = tpu.memref_slice %arg7[%select_n3A_103, %dma_wait3A_199, %dma_wait3A_200] : memref<2x12x2048xf32, #tpu.memory_space<vmem>> -> memref<1x12x2048xf32, #tpu.memory_space<vmem>>
        %dma_wait3A_202 = tpu.memref_squeeze %dma_wait3A_201 : memref<1x12x2048xf32, #tpu.memory_space<vmem>> -> memref<12x2048xf32, #tpu.memory_space<vmem>>
        tpu.wait_dma2 semaphore(%dma_wait3A_194 : memref<!tpu.dma_semaphore, #tpu.memory_space<semaphore_mem>>) src(%dma_wait3A_202 : memref<12x2048xf32, #tpu.memory_space<vmem>>) dst(%dma_wait3A_198 : memref<12x2048xf32, #tpu.memory_space<hbm>>)
      } else {
      }
      %broadcast_in_dim3A = vector.broadcast %add3A_87 : i32 to vector<16xi32>
      %gather3A = tpu.vector_load_idx %arg5[%broadcast_in_dim3A] : memref<2048xi32, #tpu.memory_space<vmem>>[vector<16xi32>], vector<16xi32>,
      %mul3A_106 = arith.constant 12 : i32
      %mul3A_107 = arith.muli %scan3A_86, %mul3A_106 : i32
      %add3A_108 = arith.constant 0 : i32
      %add3A_109 = arith.addi %mul3A_107, %add3A_108 : i32
      %broadcast_in_dim3A_110 = vector.broadcast %add3A_109 : i32 to vector<16xi32>
      %mul3A_111 = arith.constant 12 : i32
      %mul3A_112 = arith.muli %scan3A_86, %mul3A_111 : i32
      %add3A_113 = arith.constant 1 : i32
      %add3A_114 = arith.addi %mul3A_112, %add3A_113 : i32
      %broadcast_in_dim3A_115 = vector.broadcast %add3A_114 : i32 to vector<16xi32>
      %mul3A_116 = arith.constant 12 : i32
      %mul3A_117 = arith.muli %scan3A_86, %mul3A_116 : i32
      %add3A_118 = arith.constant 2 : i32
      %add3A_119 = arith.addi %mul3A_117, %add3A_118 : i32
      %broadcast_in_dim3A_120 = vector.broadcast %add3A_119 : i32 to vector<16xi32>
      %mul3A_121 = arith.constant 12 : i32
      %mul3A_122 = arith.muli %scan3A_86, %mul3A_121 : i32
      %add3A_123 = arith.constant 3 : i32
      %add3A_124 = arith.addi %mul3A_122, %add3A_123 : i32
      %broadcast_in_dim3A_125 = vector.broadcast %add3A_124 : i32 to vector<16xi32>
      %mul3A_126 = arith.constant 12 : i32
      %mul3A_127 = arith.muli %scan3A_86, %mul3A_126 : i32
      %add3A_128 = arith.constant 4 : i32
      %add3A_129 = arith.addi %mul3A_127, %add3A_128 : i32
      %broadcast_in_dim3A_130 = vector.broadcast %add3A_129 : i32 to vector<16xi32>
      %mul3A_131 = arith.constant 12 : i32
      %mul3A_132 = arith.muli %scan3A_86, %mul3A_131 : i32
      %add3A_133 = arith.constant 5 : i32
      %add3A_134 = arith.addi %mul3A_132, %add3A_133 : i32
      %broadcast_in_dim3A_135 = vector.broadcast %add3A_134 : i32 to vector<16xi32>
      %mul3A_136 = arith.constant 12 : i32
      %mul3A_137 = arith.muli %scan3A_86, %mul3A_136 : i32
      %add3A_138 = arith.constant 6 : i32
      %add3A_139 = arith.addi %mul3A_137, %add3A_138 : i32
      %broadcast_in_dim3A_140 = vector.broadcast %add3A_139 : i32 to vector<16xi32>
      %mul3A_141 = arith.constant 12 : i32
      %mul3A_142 = arith.muli %scan3A_86, %mul3A_141 : i32
      %add3A_143 = arith.constant 7 : i32
      %add3A_144 = arith.addi %mul3A_142, %add3A_143 : i32
      %broadcast_in_dim3A_145 = vector.broadcast %add3A_144 : i32 to vector<16xi32>
      %mul3A_146 = arith.constant 12 : i32
      %mul3A_147 = arith.muli %scan3A_86, %mul3A_146 : i32
      %add3A_148 = arith.constant 8 : i32
      %add3A_149 = arith.addi %mul3A_147, %add3A_148 : i32
      %broadcast_in_dim3A_150 = vector.broadcast %add3A_149 : i32 to vector<16xi32>
      %mul3A_151 = arith.constant 12 : i32
      %mul3A_152 = arith.muli %scan3A_86, %mul3A_151 : i32
      %add3A_153 = arith.constant 9 : i32
      %add3A_154 = arith.addi %mul3A_152, %add3A_153 : i32
      %broadcast_in_dim3A_155 = vector.broadcast %add3A_154 : i32 to vector<16xi32>
      %mul3A_156 = arith.constant 12 : i32
      %mul3A_157 = arith.muli %scan3A_86, %mul3A_156 : i32
      %add3A_158 = arith.constant 10 : i32
      %add3A_159 = arith.addi %mul3A_157, %add3A_158 : i32
      %broadcast_in_dim3A_160 = vector.broadcast %add3A_159 : i32 to vector<16xi32>
      %mul3A_161 = arith.constant 12 : i32
      %mul3A_162 = arith.muli %scan3A_86, %mul3A_161 : i32
      %add3A_163 = arith.constant 11 : i32
      %add3A_164 = arith.addi %mul3A_162, %add3A_163 : i32
      %broadcast_in_dim3A_165 = vector.broadcast %add3A_164 : i32 to vector<16xi32>
      %parallel_loop3A = arith.constant 0 : i32
      %parallel_loop3A_166 = arith.constant 128 : i32
      %parallel_loop3A_167 = arith.constant 1 : i32
      scf.for %parallel_loop3A_185 = %parallel_loop3A to %parallel_loop3A_166 step %parallel_loop3A_167  : i32 {
        %parallel_loop3A_186 = arith.constant 16 : i32
        %parallel_loop3A_187 = arith.muli %parallel_loop3A_185, %parallel_loop3A_186 : i32
        %parallel_loop3A_188 = arith.index_cast %parallel_loop3A_187 : i32 to index
        %parallel_loop3A_189 = tpu.vector_load %arg5[%parallel_loop3A_188] {strides = array<i32>} : memref<2048xi32, #tpu.memory_space<vmem>>, vector<16xi32>,
        %parallel_loop3A_190 = arith.subi %parallel_loop3A_189, %gather3A : vector<16xi32>
        %parallel_loop3A_191 = arith.constant -16 : i32
        %parallel_loop3A_192 = vector.broadcast %parallel_loop3A_191 : i32 to vector<16xi32>
        %parallel_loop3A_193 = arith.maxsi %parallel_loop3A_190, %parallel_loop3A_192 : vector<16xi32>
        %parallel_loop3A_194 = arith.constant 16 : i32
        %parallel_loop3A_195 = vector.broadcast %parallel_loop3A_194 : i32 to vector<16xi32>
        %parallel_loop3A_196 = arith.minsi %parallel_loop3A_193, %parallel_loop3A_195 : vector<16xi32>
        %parallel_loop3A_197 = arith.constant 16 : i32
        %parallel_loop3A_198 = vector.broadcast %parallel_loop3A_197 : i32 to vector<16xi32>
        %parallel_loop3A_199 = arith.addi %parallel_loop3A_196, %parallel_loop3A_198 : vector<16xi32>
        %parallel_loop3A_200 = tpu.vector_load_idx %arg6[%broadcast_in_dim3A_110, %parallel_loop3A_199] : memref<96x40xf32, #tpu.memory_space<vmem>>[vector<16xi32>, vector<16xi32>], vector<16xf32>,
        %parallel_loop3A_201 = tpu.vector_load_idx %arg6[%broadcast_in_dim3A_115, %parallel_loop3A_199] : memref<96x40xf32, #tpu.memory_space<vmem>>[vector<16xi32>, vector<16xi32>], vector<16xf32>,
        %parallel_loop3A_202 = tpu.vector_load_idx %arg6[%broadcast_in_dim3A_120, %parallel_loop3A_199] : memref<96x40xf32, #tpu.memory_space<vmem>>[vector<16xi32>, vector<16xi32>], vector<16xf32>,
        %parallel_loop3A_203 = tpu.vector_load_idx %arg6[%broadcast_in_dim3A_125, %parallel_loop3A_199] : memref<96x40xf32, #tpu.memory_space<vmem>>[vector<16xi32>, vector<16xi32>], vector<16xf32>,
        %parallel_loop3A_204 = tpu.vector_load_idx %arg6[%broadcast_in_dim3A_130, %parallel_loop3A_199] : memref<96x40xf32, #tpu.memory_space<vmem>>[vector<16xi32>, vector<16xi32>], vector<16xf32>,
        %parallel_loop3A_205 = tpu.vector_load_idx %arg6[%broadcast_in_dim3A_135, %parallel_loop3A_199] : memref<96x40xf32, #tpu.memory_space<vmem>>[vector<16xi32>, vector<16xi32>], vector<16xf32>,
        %parallel_loop3A_206 = tpu.vector_load_idx %arg6[%broadcast_in_dim3A_140, %parallel_loop3A_199] : memref<96x40xf32, #tpu.memory_space<vmem>>[vector<16xi32>, vector<16xi32>], vector<16xf32>,
        %parallel_loop3A_207 = tpu.vector_load_idx %arg6[%broadcast_in_dim3A_145, %parallel_loop3A_199] : memref<96x40xf32, #tpu.memory_space<vmem>>[vector<16xi32>, vector<16xi32>], vector<16xf32>,
        %parallel_loop3A_208 = tpu.vector_load_idx %arg6[%broadcast_in_dim3A_150, %parallel_loop3A_199] : memref<96x40xf32, #tpu.memory_space<vmem>>[vector<16xi32>, vector<16xi32>], vector<16xf32>,
        %parallel_loop3A_209 = tpu.vector_load_idx %arg6[%broadcast_in_dim3A_155, %parallel_loop3A_199] : memref<96x40xf32, #tpu.memory_space<vmem>>[vector<16xi32>, vector<16xi32>], vector<16xf32>,
        %parallel_loop3A_210 = tpu.vector_load_idx %arg6[%broadcast_in_dim3A_160, %parallel_loop3A_199] : memref<96x40xf32, #tpu.memory_space<vmem>>[vector<16xi32>, vector<16xi32>], vector<16xf32>,
        %parallel_loop3A_211 = tpu.vector_load_idx %arg6[%broadcast_in_dim3A_165, %parallel_loop3A_199] : memref<96x40xf32, #tpu.memory_space<vmem>>[vector<16xi32>, vector<16xi32>], vector<16xf32>,
        %parallel_loop3A_212 = arith.constant 16 : i32
        %parallel_loop3A_213 = arith.muli %parallel_loop3A_185, %parallel_loop3A_212 : i32
        %parallel_loop3A_214 = arith.constant 0 : i32
        %parallel_loop3A_215 = arith.index_cast %select_n3A_103 : i32 to index
        %parallel_loop3A_216 = arith.index_cast %parallel_loop3A_214 : i32 to index
        %parallel_loop3A_217 = arith.index_cast %parallel_loop3A_213 : i32 to index
        %parallel_loop3A_218 = tpu.vector_load %arg7[%parallel_loop3A_215, %parallel_loop3A_216, %parallel_loop3A_217] {strides = array<i32>} : memref<2x12x2048xf32, #tpu.memory_space<vmem>>, vector<16xf32>,
        tpu.vector_store %arg7[%parallel_loop3A_215, %parallel_loop3A_216, %parallel_loop3A_217], %parallel_loop3A_200 {strides = array<i32>} : memref<2x12x2048xf32, #tpu.memory_space<vmem>>, vector<16xf32>,
        %parallel_loop3A_219 = arith.constant 16 : i32
        %parallel_loop3A_220 = arith.muli %parallel_loop3A_185, %parallel_loop3A_219 : i32
        %parallel_loop3A_221 = arith.constant 1 : i32
        %parallel_loop3A_222 = arith.index_cast %select_n3A_103 : i32 to index
        %parallel_loop3A_223 = arith.index_cast %parallel_loop3A_221 : i32 to index
        %parallel_loop3A_224 = arith.index_cast %parallel_loop3A_220 : i32 to index
        %parallel_loop3A_225 = tpu.vector_load %arg7[%parallel_loop3A_222, %parallel_loop3A_223, %parallel_loop3A_224] {strides = array<i32>} : memref<2x12x2048xf32, #tpu.memory_space<vmem>>, vector<16xf32>,
        tpu.vector_store %arg7[%parallel_loop3A_222, %parallel_loop3A_223, %parallel_loop3A_224], %parallel_loop3A_201 {strides = array<i32>} : memref<2x12x2048xf32, #tpu.memory_space<vmem>>, vector<16xf32>,
        %parallel_loop3A_226 = arith.constant 16 : i32
        %parallel_loop3A_227 = arith.muli %parallel_loop3A_185, %parallel_loop3A_226 : i32
        %parallel_loop3A_228 = arith.constant 2 : i32
        %parallel_loop3A_229 = arith.index_cast %select_n3A_103 : i32 to index
        %parallel_loop3A_230 = arith.index_cast %parallel_loop3A_228 : i32 to index
        %parallel_loop3A_231 = arith.index_cast %parallel_loop3A_227 : i32 to index
        %parallel_loop3A_232 = tpu.vector_load %arg7[%parallel_loop3A_229, %parallel_loop3A_230, %parallel_loop3A_231] {strides = array<i32>} : memref<2x12x2048xf32, #tpu.memory_space<vmem>>, vector<16xf32>,
        tpu.vector_store %arg7[%parallel_loop3A_229, %parallel_loop3A_230, %parallel_loop3A_231], %parallel_loop3A_202 {strides = array<i32>} : memref<2x12x2048xf32, #tpu.memory_space<vmem>>, vector<16xf32>,
        %parallel_loop3A_233 = arith.constant 16 : i32
        %parallel_loop3A_234 = arith.muli %parallel_loop3A_185, %parallel_loop3A_233 : i32
        %parallel_loop3A_235 = arith.constant 3 : i32
        %parallel_loop3A_236 = arith.index_cast %select_n3A_103 : i32 to index
        %parallel_loop3A_237 = arith.index_cast %parallel_loop3A_235 : i32 to index
        %parallel_loop3A_238 = arith.index_cast %parallel_loop3A_234 : i32 to index
        %parallel_loop3A_239 = tpu.vector_load %arg7[%parallel_loop3A_236, %parallel_loop3A_237, %parallel_loop3A_238] {strides = array<i32>} : memref<2x12x2048xf32, #tpu.memory_space<vmem>>, vector<16xf32>,
        tpu.vector_store %arg7[%parallel_loop3A_236, %parallel_loop3A_237, %parallel_loop3A_238], %parallel_loop3A_203 {strides = array<i32>} : memref<2x12x2048xf32, #tpu.memory_space<vmem>>, vector<16xf32>,
        %parallel_loop3A_240 = arith.constant 16 : i32
        %parallel_loop3A_241 = arith.muli %parallel_loop3A_185, %parallel_loop3A_240 : i32
        %parallel_loop3A_242 = arith.constant 4 : i32
        %parallel_loop3A_243 = arith.index_cast %select_n3A_103 : i32 to index
        %parallel_loop3A_244 = arith.index_cast %parallel_loop3A_242 : i32 to index
        %parallel_loop3A_245 = arith.index_cast %parallel_loop3A_241 : i32 to index
        %parallel_loop3A_246 = tpu.vector_load %arg7[%parallel_loop3A_243, %parallel_loop3A_244, %parallel_loop3A_245] {strides = array<i32>} : memref<2x12x2048xf32, #tpu.memory_space<vmem>>, vector<16xf32>,
        tpu.vector_store %arg7[%parallel_loop3A_243, %parallel_loop3A_244, %parallel_loop3A_245], %parallel_loop3A_204 {strides = array<i32>} : memref<2x12x2048xf32, #tpu.memory_space<vmem>>, vector<16xf32>,
        %parallel_loop3A_247 = arith.constant 16 : i32
        %parallel_loop3A_248 = arith.muli %parallel_loop3A_185, %parallel_loop3A_247 : i32
        %parallel_loop3A_249 = arith.constant 5 : i32
        %parallel_loop3A_250 = arith.index_cast %select_n3A_103 : i32 to index
        %parallel_loop3A_251 = arith.index_cast %parallel_loop3A_249 : i32 to index
        %parallel_loop3A_252 = arith.index_cast %parallel_loop3A_248 : i32 to index
        %parallel_loop3A_253 = tpu.vector_load %arg7[%parallel_loop3A_250, %parallel_loop3A_251, %parallel_loop3A_252] {strides = array<i32>} : memref<2x12x2048xf32, #tpu.memory_space<vmem>>, vector<16xf32>,
        tpu.vector_store %arg7[%parallel_loop3A_250, %parallel_loop3A_251, %parallel_loop3A_252], %parallel_loop3A_205 {strides = array<i32>} : memref<2x12x2048xf32, #tpu.memory_space<vmem>>, vector<16xf32>,
        %parallel_loop3A_254 = arith.constant 16 : i32
        %parallel_loop3A_255 = arith.muli %parallel_loop3A_185, %parallel_loop3A_254 : i32
        %parallel_loop3A_256 = arith.constant 6 : i32
        %parallel_loop3A_257 = arith.index_cast %select_n3A_103 : i32 to index
        %parallel_loop3A_258 = arith.index_cast %parallel_loop3A_256 : i32 to index
        %parallel_loop3A_259 = arith.index_cast %parallel_loop3A_255 : i32 to index
        %parallel_loop3A_260 = tpu.vector_load %arg7[%parallel_loop3A_257, %parallel_loop3A_258, %parallel_loop3A_259] {strides = array<i32>} : memref<2x12x2048xf32, #tpu.memory_space<vmem>>, vector<16xf32>,
        tpu.vector_store %arg7[%parallel_loop3A_257, %parallel_loop3A_258, %parallel_loop3A_259], %parallel_loop3A_206 {strides = array<i32>} : memref<2x12x2048xf32, #tpu.memory_space<vmem>>, vector<16xf32>,
        %parallel_loop3A_261 = arith.constant 16 : i32
        %parallel_loop3A_262 = arith.muli %parallel_loop3A_185, %parallel_loop3A_261 : i32
        %parallel_loop3A_263 = arith.constant 7 : i32
        %parallel_loop3A_264 = arith.index_cast %select_n3A_103 : i32 to index
        %parallel_loop3A_265 = arith.index_cast %parallel_loop3A_263 : i32 to index
        %parallel_loop3A_266 = arith.index_cast %parallel_loop3A_262 : i32 to index
        %parallel_loop3A_267 = tpu.vector_load %arg7[%parallel_loop3A_264, %parallel_loop3A_265, %parallel_loop3A_266] {strides = array<i32>} : memref<2x12x2048xf32, #tpu.memory_space<vmem>>, vector<16xf32>,
        tpu.vector_store %arg7[%parallel_loop3A_264, %parallel_loop3A_265, %parallel_loop3A_266], %parallel_loop3A_207 {strides = array<i32>} : memref<2x12x2048xf32, #tpu.memory_space<vmem>>, vector<16xf32>,
        %parallel_loop3A_268 = arith.constant 16 : i32
        %parallel_loop3A_269 = arith.muli %parallel_loop3A_185, %parallel_loop3A_268 : i32
        %parallel_loop3A_270 = arith.constant 8 : i32
        %parallel_loop3A_271 = arith.index_cast %select_n3A_103 : i32 to index
        %parallel_loop3A_272 = arith.index_cast %parallel_loop3A_270 : i32 to index
        %parallel_loop3A_273 = arith.index_cast %parallel_loop3A_269 : i32 to index
        %parallel_loop3A_274 = tpu.vector_load %arg7[%parallel_loop3A_271, %parallel_loop3A_272, %parallel_loop3A_273] {strides = array<i32>} : memref<2x12x2048xf32, #tpu.memory_space<vmem>>, vector<16xf32>,
        tpu.vector_store %arg7[%parallel_loop3A_271, %parallel_loop3A_272, %parallel_loop3A_273], %parallel_loop3A_208 {strides = array<i32>} : memref<2x12x2048xf32, #tpu.memory_space<vmem>>, vector<16xf32>,
        %parallel_loop3A_275 = arith.constant 16 : i32
        %parallel_loop3A_276 = arith.muli %parallel_loop3A_185, %parallel_loop3A_275 : i32
        %parallel_loop3A_277 = arith.constant 9 : i32
        %parallel_loop3A_278 = arith.index_cast %select_n3A_103 : i32 to index
        %parallel_loop3A_279 = arith.index_cast %parallel_loop3A_277 : i32 to index
        %parallel_loop3A_280 = arith.index_cast %parallel_loop3A_276 : i32 to index
        %parallel_loop3A_281 = tpu.vector_load %arg7[%parallel_loop3A_278, %parallel_loop3A_279, %parallel_loop3A_280] {strides = array<i32>} : memref<2x12x2048xf32, #tpu.memory_space<vmem>>, vector<16xf32>,
        tpu.vector_store %arg7[%parallel_loop3A_278, %parallel_loop3A_279, %parallel_loop3A_280], %parallel_loop3A_209 {strides = array<i32>} : memref<2x12x2048xf32, #tpu.memory_space<vmem>>, vector<16xf32>,
        %parallel_loop3A_282 = arith.constant 16 : i32
        %parallel_loop3A_283 = arith.muli %parallel_loop3A_185, %parallel_loop3A_282 : i32
        %parallel_loop3A_284 = arith.constant 10 : i32
        %parallel_loop3A_285 = arith.index_cast %select_n3A_103 : i32 to index
        %parallel_loop3A_286 = arith.index_cast %parallel_loop3A_284 : i32 to index
        %parallel_loop3A_287 = arith.index_cast %parallel_loop3A_283 : i32 to index
        %parallel_loop3A_288 = tpu.vector_load %arg7[%parallel_loop3A_285, %parallel_loop3A_286, %parallel_loop3A_287] {strides = array<i32>} : memref<2x12x2048xf32, #tpu.memory_space<vmem>>, vector<16xf32>,
        tpu.vector_store %arg7[%parallel_loop3A_285, %parallel_loop3A_286, %parallel_loop3A_287], %parallel_loop3A_210 {strides = array<i32>} : memref<2x12x2048xf32, #tpu.memory_space<vmem>>, vector<16xf32>,
        %parallel_loop3A_289 = arith.constant 16 : i32
        %parallel_loop3A_290 = arith.muli %parallel_loop3A_185, %parallel_loop3A_289 : i32
        %parallel_loop3A_291 = arith.constant 11 : i32
        %parallel_loop3A_292 = arith.index_cast %select_n3A_103 : i32 to index
        %parallel_loop3A_293 = arith.index_cast %parallel_loop3A_291 : i32 to index
        %parallel_loop3A_294 = arith.index_cast %parallel_loop3A_290 : i32 to index
        %parallel_loop3A_295 = tpu.vector_load %arg7[%parallel_loop3A_292, %parallel_loop3A_293, %parallel_loop3A_294] {strides = array<i32>} : memref<2x12x2048xf32, #tpu.memory_space<vmem>>, vector<16xf32>,
        tpu.vector_store %arg7[%parallel_loop3A_292, %parallel_loop3A_293, %parallel_loop3A_294], %parallel_loop3A_211 {strides = array<i32>} : memref<2x12x2048xf32, #tpu.memory_space<vmem>>, vector<16xf32>,
      } {sc.loop_unroll_factor = 2 : i64, sc.parallel_access}
      %dma_start3A = arith.constant 0 : i32
      %dma_start3A_168 = arith.constant 0 : i32
      %dma_start3A_169 = tpu.memref_slice %arg7[%select_n3A_103, %dma_start3A, %dma_start3A_168] : memref<2x12x2048xf32, #tpu.memory_space<vmem>> -> memref<1x12x2048xf32, #tpu.memory_space<vmem>>
      %dma_start3A_170 = tpu.memref_squeeze %dma_start3A_169 : memref<1x12x2048xf32, #tpu.memory_space<vmem>> -> memref<12x2048xf32, #tpu.memory_space<vmem>>
      %dma_start3A_171 = arith.constant 0 : i32
      %dma_start3A_172 = arith.constant 0 : i32
      %dma_start3A_173 = tpu.memref_slice %arg4[%select_n3A, %dma_start3A_171, %add3A_87, %dma_start3A_172] : memref<8x12x32x2048xf32, #tpu.memory_space<hbm>> -> memref<1x12x1x2048xf32, #tpu.memory_space<hbm>>
      %dma_start3A_174 = tpu.memref_squeeze %dma_start3A_173 : memref<1x12x1x2048xf32, #tpu.memory_space<hbm>> -> memref<12x2048xf32, #tpu.memory_space<hbm>>
      %dma_start3A_175 = tpu.memref_slice %arg8[%select_n3A_103] : memref<2x!tpu.dma_semaphore, #tpu.memory_space<semaphore_mem>> -> memref<1x!tpu.dma_semaphore, #tpu.memory_space<semaphore_mem>>
      %dma_start3A_176 = tpu.memref_squeeze %dma_start3A_175 : memref<1x!tpu.dma_semaphore, #tpu.memory_space<semaphore_mem>> -> memref<!tpu.dma_semaphore, #tpu.memory_space<semaphore_mem>>
      %dma_start3A_177 = arith.constant 0 : i32
      %dma_start3A_178 = arith.constant 0 : i32
      %dma_start3A_179 = tpu.memref_slice %arg4[%select_n3A, %dma_start3A_177, %add3A_87, %dma_start3A_178] : memref<8x12x32x2048xf32, #tpu.memory_space<hbm>> -> memref<1x12x1x2048xf32, #tpu.memory_space<hbm>>
      %dma_start3A_180 = tpu.memref_squeeze %dma_start3A_179 : memref<1x12x1x2048xf32, #tpu.memory_space<hbm>> -> memref<12x2048xf32, #tpu.memory_space<hbm>>
      %dma_start3A_181 = arith.constant 0 : i32
      %dma_start3A_182 = arith.constant 0 : i32
      %dma_start3A_183 = tpu.memref_slice %arg7[%select_n3A_103, %dma_start3A_181, %dma_start3A_182] : memref<2x12x2048xf32, #tpu.memory_space<vmem>> -> memref<1x12x2048xf32, #tpu.memory_space<vmem>>
      %dma_start3A_184 = tpu.memref_squeeze %dma_start3A_183 : memref<1x12x2048xf32, #tpu.memory_space<vmem>> -> memref<12x2048xf32, #tpu.memory_space<vmem>>
      tpu.enqueue_dma source(%dma_start3A_184 : memref<12x2048xf32, #tpu.memory_space<vmem>>) target(%dma_start3A_180 : memref<12x2048xf32, #tpu.memory_space<hbm>>) target_semaphore(%dma_start3A_176 : memref<!tpu.dma_semaphore, #tpu.memory_space<semaphore_mem>>)
    }
    %scan3A_42 = arith.constant 8 : i32
    %add3A_43 = arith.constant 6 : i32
    %add3A_44 = arith.addi %mul3A_32, %add3A_43 : i32
    %dma_wait3A = arith.constant 0 : i32
    %dma_wait3A_45 = arith.constant 0 : i32
    %dma_wait3A_46 = arith.constant 0 : i32
    %dma_wait3A_47 = arith.constant 0 : i32
    %dma_wait3A_48 = tpu.memref_slice %arg7[%dma_wait3A, %dma_wait3A_46, %dma_wait3A_47] : memref<2x12x2048xf32, #tpu.memory_space<vmem>> -> memref<1x12x2048xf32, #tpu.memory_space<vmem>>
    %dma_wait3A_49 = tpu.memref_squeeze %dma_wait3A_48 : memref<1x12x2048xf32, #tpu.memory_space<vmem>> -> memref<12x2048xf32, #tpu.memory_space<vmem>>
    %dma_wait3A_50 = arith.constant 0 : i32
    %dma_wait3A_51 = arith.constant 0 : i32
    %dma_wait3A_52 = tpu.memref_slice %arg4[%select_n3A, %dma_wait3A_50, %add3A_44, %dma_wait3A_51] : memref<8x12x32x2048xf32, #tpu.memory_space<hbm>> -> memref<1x12x1x2048xf32, #tpu.memory_space<hbm>>
    %dma_wait3A_53 = tpu.memref_squeeze %dma_wait3A_52 : memref<1x12x1x2048xf32, #tpu.memory_space<hbm>> -> memref<12x2048xf32, #tpu.memory_space<hbm>>
    %dma_wait3A_54 = tpu.memref_slice %arg8[%dma_wait3A_45] : memref<2x!tpu.dma_semaphore, #tpu.memory_space<semaphore_mem>> -> memref<1x!tpu.dma_semaphore, #tpu.memory_space<semaphore_mem>>
    %dma_wait3A_55 = tpu.memref_squeeze %dma_wait3A_54 : memref<1x!tpu.dma_semaphore, #tpu.memory_space<semaphore_mem>> -> memref<!tpu.dma_semaphore, #tpu.memory_space<semaphore_mem>>
    %dma_wait3A_56 = arith.constant 0 : i32
    %dma_wait3A_57 = arith.constant 0 : i32
    %dma_wait3A_58 = tpu.memref_slice %arg4[%select_n3A, %dma_wait3A_56, %add3A_44, %dma_wait3A_57] : memref<8x12x32x2048xf32, #tpu.memory_space<hbm>> -> memref<1x12x1x2048xf32, #tpu.memory_space<hbm>>
    %dma_wait3A_59 = tpu.memref_squeeze %dma_wait3A_58 : memref<1x12x1x2048xf32, #tpu.memory_space<hbm>> -> memref<12x2048xf32, #tpu.memory_space<hbm>>
    %dma_wait3A_60 = arith.constant 0 : i32
    %dma_wait3A_61 = arith.constant 0 : i32
    %dma_wait3A_62 = tpu.memref_slice %arg7[%dma_wait3A, %dma_wait3A_60, %dma_wait3A_61] : memref<2x12x2048xf32, #tpu.memory_space<vmem>> -> memref<1x12x2048xf32, #tpu.memory_space<vmem>>
    %dma_wait3A_63 = tpu.memref_squeeze %dma_wait3A_62 : memref<1x12x2048xf32, #tpu.memory_space<vmem>> -> memref<12x2048xf32, #tpu.memory_space<vmem>>
    tpu.wait_dma2 semaphore(%dma_wait3A_55 : memref<!tpu.dma_semaphore, #tpu.memory_space<semaphore_mem>>) src(%dma_wait3A_63 : memref<12x2048xf32, #tpu.memory_space<vmem>>) dst(%dma_wait3A_59 : memref<12x2048xf32, #tpu.memory_space<hbm>>)
    %add3A_64 = arith.constant 7 : i32
    %add3A_65 = arith.addi %mul3A_32, %add3A_64 : i32
    %dma_wait3A_66 = arith.constant 1 : i32
    %dma_wait3A_67 = arith.constant 1 : i32
    %dma_wait3A_68 = arith.constant 0 : i32
    %dma_wait3A_69 = arith.constant 0 : i32
    %dma_wait3A_70 = tpu.memref_slice %arg7[%dma_wait3A_66, %dma_wait3A_68, %dma_wait3A_69] : memref<2x12x2048xf32, #tpu.memory_space<vmem>> -> memref<1x12x2048xf32, #tpu.memory_space<vmem>>
    %dma_wait3A_71 = tpu.memref_squeeze %dma_wait3A_70 : memref<1x12x2048xf32, #tpu.memory_space<vmem>> -> memref<12x2048xf32, #tpu.memory_space<vmem>>
    %dma_wait3A_72 = arith.constant 0 : i32
    %dma_wait3A_73 = arith.constant 0 : i32
    %dma_wait3A_74 = tpu.memref_slice %arg4[%select_n3A, %dma_wait3A_72, %add3A_65, %dma_wait3A_73] : memref<8x12x32x2048xf32, #tpu.memory_space<hbm>> -> memref<1x12x1x2048xf32, #tpu.memory_space<hbm>>
    %dma_wait3A_75 = tpu.memref_squeeze %dma_wait3A_74 : memref<1x12x1x2048xf32, #tpu.memory_space<hbm>> -> memref<12x2048xf32, #tpu.memory_space<hbm>>
    %dma_wait3A_76 = tpu.memref_slice %arg8[%dma_wait3A_67] : memref<2x!tpu.dma_semaphore, #tpu.memory_space<semaphore_mem>> -> memref<1x!tpu.dma_semaphore, #tpu.memory_space<semaphore_mem>>
    %dma_wait3A_77 = tpu.memref_squeeze %dma_wait3A_76 : memref<1x!tpu.dma_semaphore, #tpu.memory_space<semaphore_mem>> -> memref<!tpu.dma_semaphore, #tpu.memory_space<semaphore_mem>>
    %dma_wait3A_78 = arith.constant 0 : i32
    %dma_wait3A_79 = arith.constant 0 : i32
    %dma_wait3A_80 = tpu.memref_slice %arg4[%select_n3A, %dma_wait3A_78, %add3A_65, %dma_wait3A_79] : memref<8x12x32x2048xf32, #tpu.memory_space<hbm>> -> memref<1x12x1x2048xf32, #tpu.memory_space<hbm>>
    %dma_wait3A_81 = tpu.memref_squeeze %dma_wait3A_80 : memref<1x12x1x2048xf32, #tpu.memory_space<hbm>> -> memref<12x2048xf32, #tpu.memory_space<hbm>>
    %dma_wait3A_82 = arith.constant 0 : i32
    %dma_wait3A_83 = arith.constant 0 : i32
    %dma_wait3A_84 = tpu.memref_slice %arg7[%dma_wait3A_66, %dma_wait3A_82, %dma_wait3A_83] : memref<2x12x2048xf32, #tpu.memory_space<vmem>> -> memref<1x12x2048xf32, #tpu.memory_space<vmem>>
    %dma_wait3A_85 = tpu.memref_squeeze %dma_wait3A_84 : memref<1x12x2048xf32, #tpu.memory_space<vmem>> -> memref<12x2048xf32, #tpu.memory_space<vmem>>
    tpu.wait_dma2 semaphore(%dma_wait3A_77 : memref<!tpu.dma_semaphore, #tpu.memory_space<semaphore_mem>>) src(%dma_wait3A_85 : memref<12x2048xf32, #tpu.memory_space<vmem>>) dst(%dma_wait3A_81 : memref<12x2048xf32, #tpu.memory_space<hbm>>)
    return
  }
}

module attributes {stable_mosaic.version = 14 : i64} {
  func.func @_scores_body(%arg0: memref<3072x64xf32, #tpu.memory_space<vmem>>, %arg1: memref<40x64xf32, #tpu.memory_space<vmem>>, %arg2: memref<3072x40xf32, #tpu.memory_space<vmem>>) attributes {dimension_semantics = [], scalar_prefetch = 0 : i64, scratch_operands = 0 : i64, tpu.core_type = #tpu.core_type<tc>} {
    %get3A = arith.constant 0 : index
    %get3A_0 = arith.constant 0 : index
    %get3A_1 = vector.load %arg0[%get3A, %get3A_0] : memref<3072x64xf32, #tpu.memory_space<vmem>>, vector<3072x64xf32>
    %get3A_2 = arith.constant 0 : index
    %get3A_3 = arith.constant 0 : index
    %get3A_4 = vector.load %arg1[%get3A_2, %get3A_3] : memref<40x64xf32, #tpu.memory_space<vmem>>, vector<40x64xf32>
    %dot_general3A = arith.constant dense<0.000000e+00> : vector<3072x40xf32>
    %dot_general3A_5 = tpu.matmul %get3A_1, %get3A_4, %dot_general3A {dimension_numbers = #tpu.dot_dimension_numbers<[1], [1], [0], [0], [0, 0, 1, 0], [], []>, transpose_lhs_hint = false} : vector<3072x64xf32>, vector<40x64xf32>, vector<3072x40xf32> -> vector<3072x40xf32>
    %swap3A = arith.constant 0 : index
    %swap3A_6 = arith.constant 0 : index
    %swap3A_7 = vector.load %arg2[%swap3A, %swap3A_6] : memref<3072x40xf32, #tpu.memory_space<vmem>>, vector<3072x40xf32>
    tpu.vector_store %arg2[%swap3A, %swap3A_6], %dot_general3A_5 {strides = array<i32>} : memref<3072x40xf32, #tpu.memory_space<vmem>>, vector<3072x40xf32>,
    return
  }
}

</mosaic_0001>

<sc_bundles>
// kernel: kernel.4.cloned.1.call-start
scs
__scs_entry_jumppad:
0x0: {  	(pc) =	sbr.rel $0x88, $3  }
0x1: {  	(tag) =	ssettag $0x0;
	lr =	simm.s32 $0x1  }
0x2: {  	[smem:$0x3F9D] =	sst lr;
	_ =	strace $0xD0000000  }
0x3: {  	_ = 	snop  }
0x4: {  	_ = 	snop  }
0x5: {  	_ = 	snop  }
0x6: {  	_ = 	snop  }
0x7: {  	_ = 	snop  }
__scs_overlays_trampoline_lowered:
0x8: {  	[smem:$0x3FAC] =	sst s0  }
0x9: {  	[smem:$0x3FAD] =	sst s1  }
0xa: {  	[smem:$0x3FAE] =	sst s2  }
0xb: {  	[smem:$0x3FAF] =	sst s3  }
0xc: {  	[smem:$0x3FB0] =	sst s4  }
0xd: {  	[smem:$0x3FB1] =	sst s5  }
0xe: {  	[smem:$0x3FB2] =	sst s6  }
0xf: {  	[smem:$0x3FB3] =	sst s7  }
0x10: {  	[smem:$0x3FB4] =	sst s8  }
0x11: {  	[smem:$0x3FB5] =	sst s9;
	s0 =	simm.s32 @!p0 $0x0  }
0x12: {  	s1 =	sld [smem:$0x3F9B];
	s0 =	simm.s32 @p0 $0x1  }
0x13: {  	[smem:$0x3FB6] =	sst s0;
	s0 =	simm.s32 @!p1 $0x0  }
0x14: {  	s2 =	sld [smem:$0x3F9A];
	s0 =	simm.s32 @p1 $0x1  }
0x15: {  	[smem:$0x3FB7] =	sst s0;
	s0 =	simm.s32 @!p2 $0x0  }
0x16: {  	s3 =	sld [smem:$0x3FDB];
	s0 =	simm.s32 @p2 $0x1  }
0x17: {  	s4 =	simm.s32 $0x1BF5;
	[smem:$0x3FB9] =	sst s0  }
0x18: {  	s0 =	sld [smem:$0x3F9C];
	_ =	swait.ge [sflag:s4], $0x0  }
0x19: {  	s7 =	sld [smem:$0x3F9D]  }
0x1a: {  	s8 =	sadd.s32 $0xFFFFE003, lr  }
0x1b: {  	s9 =	sadd.s32 $0xFFFFFEF7, lr;
	s5 =	simm.s32 $0xFFFFFFFF;
	p2 =	slt.u32 s8, $0xFFFFF086  }
0x1c: {  	p1 =	slt.u32 s9, $0xF7A;
	s5 =	simm.s32 @!p2 $0x0  }
0x1d: {  	s5 =	simm.s32 @p1 $0x1;
	p0 =	seq.s32 s7, s2  }
0x1e: {  	s7 =	smul.u32 @!p0 $0xF7A, s2;
	p2 =	seq.s32 @!p0 s5, $0x0  }
0x1f: {  	s9 =	smul.u32 $0xF7A, s1;
	s8 =	simm.s32 @!p0 $0x1BF5;
	p2 =	por !p2, p0  }
0x20: {  	[sflag:s8] =	ssyncset.s32 @!p0 $0xFFFFF086;
	s6 =	sadd.s32 @!p0 s3, s7;
	s7 =	simm.s32 @!p0 $0x108  }
0x21: {  	s3 =	sadd.s32 s3, s9;
	s6 =	sadd.s32 @!p0 $0x88, s6;
	s7 =	simm.s32 @p2 $0x1082  }
0x22: {  	[simem:s7], [sflag:s8] =	dma.local @!p0 [hbm:s6], $0xF7A  }
0x23: {  	s9 =	sor.u32 $0xD0000000, s2;
	s6 =	simm.s32 $0x108;
	_ =	swait.ge @!p0 [sflag:s8], $0x0  }
0x24: {  	s3 =	sadd.s32 $0x88, s3;
	s6 =	simm.s32 @!p1 $0x1082;
	[sflag:s4] =	ssyncset.s32 $0xFFFFF086  }
0x25: {  	[simem:s6], [sflag:s4] =	dma.local [hbm:s3], $0xF7A  }
0x26: {  	[smem:$0x3F9D] =	sst s1;
	(tag) =	ssettag s2;
	_ =	strace s9  }
0x27: {  	s1 =	sld [smem:$0x3FAD]  }
0x28: {  	s2 =	sld [smem:$0x3FAE]  }
0x29: {  	s4 =	sld [smem:$0x3FB0]  }
0x2a: {  	p0 =	seq.s32 s5, $0x0;
	s5 =	sld [smem:$0x3FB1]  }
0x2b: {  	s6 =	sld [smem:$0x3FB2]  }
0x2c: {  	s7 =	sld [smem:$0x3FB3]  }
0x2d: {  	s3 =	simm.s32 $0x108;
	s8 =	sld [smem:$0x3FB4]  }
0x2e: {  	s3 =	simm.s32 @!p0 $0x1082;
	s9 =	sld [smem:$0x3FB5]  }
0x2f: {  	lr =	sadd.s32 s0, s3;
	s0 =	sld [smem:$0x3FAC]  }
0x30: {  	s3 =	sld [smem:$0x3FAF]  }
0x31: {  	[smem:$0x3FB8] =	sst s10  }
0x32: {  	s10 =	sld [smem:$0x3FB6];
	_ =	sdelay $0x3  }
0x33: {  	p0 =	seq.s32 s10, $0x1;
	s10 =	sld [smem:$0x3FB8];
	_ =	sdelay $0x3  }
0x34: {  	[smem:$0x3FB8] =	sst s10  }
0x35: {  	s10 =	sld [smem:$0x3FB7];
	_ =	sdelay $0x3  }
0x36: {  	p1 =	seq.s32 s10, $0x1;
	s10 =	sld [smem:$0x3FB8];
	_ =	sdelay $0x3  }
0x37: {  	[smem:$0x3FB8] =	sst s10  }
0x38: {  	s10 =	sld [smem:$0x3FB9]  }
0x39: {  	_ = 	snop;
	(pc) =	sbr.ind lr, $3  }
0x3a: {  	_ = 	snop  }
0x3b: {  	_ = 	snop  }
0x3c: {  	p2 =	seq.s32 s10, $0x1;
	s10 =	sld [smem:$0x3FB8]  }
0x3d: {  	_ =	shalt  }
0x3e: {  	_ =	shalt  }
0x3f: {  	_ =	shalt  }
0x40: {  	_ =	shalt  }
0x41: {  	_ =	shalt  }
0x42: {  	_ =	shalt  }
0x43: {  	_ =	shalt  }
0x44: {  	_ =	shalt  }
0x45: {  	_ =	shalt  }
0x46: {  	_ =	shalt  }
0x47: {  	_ =	shalt  }
0x48: {  	_ =	shalt  }
0x49: {  	_ =	shalt  }
0x4a: {  	_ =	shalt  }
0x4b: {  	_ =	shalt  }
0x4c: {  	_ =	shalt  }
0x4d: {  	_ =	shalt  }
0x4e: {  	_ =	shalt  }
0x4f: {  	_ =	shalt  }
0x50: {  	_ =	shalt  }
0x51: {  	_ =	shalt  }
0x52: {  	_ =	shalt  }
0x53: {  	_ =	shalt  }
0x54: {  	_ =	shalt  }
0x55: {  	_ =	shalt  }
0x56: {  	_ =	shalt  }
0x57: {  	_ =	shalt  }
0x58: {  	_ =	shalt  }
0x59: {  	_ =	shalt  }
0x5a: {  	_ =	shalt  }
0x5b: {  	_ =	shalt  }
0x5c: {  	_ =	shalt  }
0x5d: {  	_ =	shalt  }
0x5e: {  	_ =	shalt  }
0x5f: {  	_ =	shalt  }
0x60: {  	_ =	shalt  }
0x61: {  	_ =	shalt  }
0x62: {  	_ =	shalt  }
0x63: {  	_ =	shalt  }
0x64: {  	_ =	shalt  }
0x65: {  	_ =	shalt  }
0x66: {  	_ =	shalt  }
0x67: {  	_ =	shalt  }
0x68: {  	_ =	shalt  }
0x69: {  	_ =	shalt  }
0x6a: {  	_ =	shalt  }
0x6b: {  	_ =	shalt  }
0x6c: {  	_ =	shalt  }
0x6d: {  	_ =	shalt  }
0x6e: {  	_ =	shalt  }
0x6f: {  	_ =	shalt  }
0x70: {  	_ =	shalt  }
0x71: {  	_ =	shalt  }
0x72: {  	_ =	shalt  }
0x73: {  	_ =	shalt  }
0x74: {  	_ =	shalt  }
0x75: {  	_ =	shalt  }
0x76: {  	_ =	shalt  }
0x77: {  	_ =	shalt  }
0x78: {  	_ =	shalt  }
0x79: {  	_ =	shalt  }
0x7a: {  	_ =	shalt  }
0x7b: {  	_ =	shalt  }
0x7c: {  	_ =	shalt  }
0x7d: {  	_ =	shalt  }
0x7e: {  	_ =	shalt  }
0x7f: {  	_ =	shalt  }
0x80: {  	_ =	shalt  }
0x81: {  	_ =	shalt  }
0x82: {  	_ =	shalt  }
0x83: {  	_ =	shalt  }
0x84: {  	_ =	shalt  }
0x85: {  	_ =	shalt  }
0x86: {  	_ =	shalt  }
0x87: {  	_ =	shalt  }
.Lfunc_end0:
.L_simem_size_0:
called_computation_lowered:
.L_overlay_start_0:
0x88: {  	s2 =	sld [smem:$0x3FD9]  }
0x89: {  	s3 =	sld [smem:$0x3FFE];
	_ =	sdelay $0x1  }
0x8a: {  	s1 =	srdreg.scid  }
0x8b: {  	s0 =	sand.u32 $0x1, s1  }
0x8c: {  	s17 =	sshll.u32 s0, $0xA;
	s2 =	sadd.s32 s3, s2  }
0x8d: {  	s2 =	sadd.s32 s2, s17  }
0x8e: {  	[smem:$0x3FC4] =	sst s2  }
0x8f: {  	_ = 	snop  }
0x90: {  	s2 =	sld [smem:$0x3FC8]  }
0x91: {  	s18 =	sld [smem:$0x3FD0];
	(tm) =	ssettm $0x1  }
0x92: {  	s4 =	sld [smem:$0x3FFB];
	_ =	sdelay $0x3  }
0x93: {  	_ =	strace s4  }
0x94: {  	s4 =	sld [smem:$0x3FFC];
	_ =	sdelay $0x3  }
0x95: {  	_ =	strace s4  }
0x96: {  	s4 =	sld [smem:$0x3FFD];
	_ =	sdelay $0x3  }
0x97: {  	_ =	strace s4  }
0x98: {  	_ =	strace $0x8FFFFFFF  }
0x99: {  	s19 =	sld [smem:$0x3FDB];
	_ =	sdelay $0x1  }
0x9a: {  	s5 =	simm.s32 $_scs_section_size  }
0x9b: {  	s6 =	simm.s32 $_size__tile_overlayer_lowered;
	s7 =	simm.s32 $_tile_overlayer_lowered  }
0x9c: {  	s22 =	simm.s32 $0x1BFF;
	s21 =	sshll.u32 s7, $0x1;
	s4 =	sadd.s32 s5, s19  }
0x9d: {  	s8 =	simm.s32 $0x0;
	s20 =	sshll.u32 s6, $0x1;
	s6 =	sadd.s32 s21, s4  }
0x9e: {  	[timem:s8], [sflag:s22] =	dma.local [hbm:s6], s20  }
0x9f: {  	_ =	swait.ge [sflag:s22], s20  }
0xa0: {  	s5 =	ssub.s32 $0x0, s20;
	[sflag:s22] =	ssyncset.done $0x0  }
0xa1: {  	[sflag:s22] =	ssyncadd.s32 s5;
	_ =	sdelay $0x1  }
0xa2: {  	s23 =	simm.s32 $0x1B8B  }
0xa3: {  	_ =	swait.ge [sflag:s23], $0x1  }
0xa4: {  	[sflag:s23] =	ssyncset.done $0x0  }
0xa5: {  	s25 =	simm.s32 $0x1B8E;
	s24 =	sld [smem:$0x3FFE];
	[sflag:s23] =	ssyncadd.s32 $0xFFFFFFFF  }
0xa6: {  	s26 =	simm.s32 $execute0_lowered;
	[smem:$0x3FD2] =	sst s25  }
0xa7: {  	s6 =	sshll.u32 s26, $0x1;
	_ =	strace $0x80000046;
	[dreg:$0x1] =	wrdreg $0xFFFFFFFF  }
0xa8: {  	s28 =	simm.s32 $_size_execute0_lowered;
	s4 =	sadd.s32 s4, s6;
	[dreg:$0x0] =	wrdreg $0x0  }
0xa9: {  	s6 =	sshll.u32 s28, $0x1;
	[dreg:$0x2] =	wrdreg s4  }
0xaa: {  	[dreg:$0x3] =	wrdreg s6  }
0xab: {  	[dreg:$0x4] =	wrdreg $0xC0  }
0xac: {  	_ =	task [dreg:s8], $0x5FFFF  }
0xad: {  	[dreg:$0x1] =	wrdreg $0xFFFFFFFF  }
0xae: {  	[dreg:$0x0] =	wrdreg $0x60  }
0xaf: {  	[dreg:$0x2] =	wrdreg s24  }
0xb0: {  	[dreg:$0x3] =	wrdreg s2  }
0xb1: {  	[dreg:$0x4] =	wrdreg s18  }
0xb2: {  	[dreg:$0x5] =	wrdreg $0x9  }
0xb3: {  	_ =	task.clear_ibuf [dreg:s8], $0x6FFFF;
	_ =	strace $0x90000046  }
0xb4: {  	s29 =	simm.s32 $0x9;
	_ =	strace $0x80000048  }
0xb5: {  	_ =	swait.ge [sflag:s29], $0x1  }
0xb6: {  	[sflag:s29] =	ssyncadd.s32 $0xFFFFFFFF  }
0xb7: {  	_ =	strace $0x90000048  }
0xb8: {  	_ =	sfence  }
0xb9: {  	s30 =	sld [smem:$0x0];
	_ =	sdelay $0x2  }
0xba: {  	s31 =	sshll.u32 s1, $0xD;
	s1 =	sshrl.u32 s1, $0x2  }
0xbb: {  	s3 =	sand.u32 $0x4000, s31;
	s1 =	sadd.s32 s1, s30  }
0xbc: {  	s0 =	sor.u32 s3, s0;
	s1 =	sshll.u32 s1, $0x11  }
0xbd: {  	s0 =	sor.u32 s1, s0  }
0xbe: {  	s0 =	sadd.s32 $0x8F2B, s0  }
0xbf: {  	[sflag:s0] =	ssyncadd.remote.s32 $0x1  }
0xc0: {  	_ =	sfence.sel $0xFFFF  }
0xc1: {  	[dreg:$0x0] =	wrdreg $0xFFFFFFFF;
	(pc) =	sbr.abs _section_cstart, $3  }
0xc2: {  	[dreg:$0x1] =	wrdreg $0xFFFFFFFF  }
0xc3: {  	_ =	task.clear_ibuf [dreg:s8], $0x2FFFF;
	_ =	strace $0x9FFFFFFF  }
0xc4: {  	(tm) =	ssettm $0x7FFFFFFF  }
0xc5: {  	_ =	shalt  }
tec
execute0_lowered:
.L_overlay_start_1:
0x0: {  	(tag) =	ssettag $0x1  }
0x1: {  	s2 =	stileid.u32;
	s4 =	rddreg [dreg:$0x0]  }
0x2: {  	s0 =	srdreg.scid;
	s5 =	rddreg [dreg:$0x1]  }
0x3: {  	s8 =	simm.s32 $0x0;
	s9 =	simm.s32 $0x80;
	s11 =	simm.s32 $0x3  }
0x4: {  	s12 =	simm.s32 $0x800;
	s13 =	simm.s32 $0x10000;
	s1 =	sshll.u32 s2, $0x1  }
0x5: {  	s14 =	simm.s32 $0x1;
	s0 =	sand.u32 $0x1, s0;
	s1 =	sand.u32 $0x2, s1  }
0x6: {  	s15 =	simm.s32 $0x2;
	s6 =	sshrl.u32 s2, $0x1;
	s1 =	sor.u32 s0, s1  }
0x7: {  	s16 =	simm.s32 $0x0;
	s7 =	sshll.u32 s6, $0x5;
	s3 =	sshll.u32 s1, $0x3  }
0x8: {  	s2 =	rddreg [dreg:$0x2];
	s31 =	smul.u32 $0xC0000, s6;
	s7 =	sor.u32 s7, s3  }
0x9: {  	[smem:$0x7FF] =	sst s8;
	s6 =	sshll.u32 s6, $0x4;
	s7 =	smul.u32 $0xC0, s7  }
0xa: {  	_ =	strace $0x80000047;
	s0 =	ssub.s32 $0x2, s0;
	s5 =	sadd.s32 s5, s6  }
0xb: {  	s30 =	sshrl.u32 s0, $0x1;
	s1 =	sshll.u32 s1, $0xE;
	s4 =	sadd.s32 s7, s4  }
0xc: {  	[dreg:$0x4] =	wrdreg s5;
	s0 =	ssub.s32 s0, s30;
	s4 =	sadd.s32 $0x800, s4  }
0xd: {  	s8 =	smax.u32 s0, $0x1;
	s7 =	sor.u32 s31, s1;
	[dreg:$0x5] =	wrdreg s4  }
.LBB2_1:
0xe: {  	s0 =	simm.s32 $0x0;
	s1 =	rddreg [dreg:$0x4];
	s4 =	simm.s32 $0x400  }
0xf: {  	[tilespmem:s0], [sflag:$0x3] =	stream.strided.gather [hbm4b:s1+s9], $0x800, s4, s9, $0x38;
	[tilespmem:$0x13800] =	vst v63  }
0x10: {  	_ =	swait.ge [sflag:s11], $0x800  }
0x11: {  	[sflag:s11] =	ssyncset.done $0x0  }
0x12: {  	s31 =	rddreg [dreg:$0x5];
	[sflag:s11] =	ssyncadd.s32 $0xFFFFF800  }
0x13: {  	[tilespmem:s12], [sflag:$0x3] =	stream.linear.gather [hbm4b:s31+s0], $0x3000, $0x38;
	[tilespmem:$0x13800] =	vst v63  }
0x14: {  	_ =	swait.ge [sflag:s11], $0x3000  }
0x15: {  	[sflag:s11] =	ssyncset.done $0x0  }
0x16: {  	s17 =	simm.s32 $0x0;
	[sflag:s11] =	ssyncadd.s32 $0xFFFFD000  }
.LBB2_2:
0x17: {  	s0 =	sor.u32 s3, s17  }
0x18: {  	s19 =	sand.u32 $0x1, s17;
	p0 =	slt.u32 s17, $0x2;
	v0 =	vmov s0  }
0x19: {  	s0 =	sadd.s32 @!p0 $0x1, s19  }
0x1a: {  	s1 =	simm.s32 $0x0;
	_ =	swait.ge @!p0 [sflag:s0], $0x6000  }
0x1b: {  	s30 =	sand.u32 $0x60, s1;
	[sflag:s0] =	ssyncset.done @!p0 $0x0  }
0x1c: {  	s4 =	sand.u32 $0x780, s1;
	[sflag:s0] =	ssyncadd.s32 @!p0 $0xFFFFA000;
	s0 =	sor.u32 $0x10, s30  }
0x1d: {  	s4 =	sor.u32 s0, s4;
	v7 =	vld.idx.msk [tilespmem:v0+s1+$0x0], $0xffff  }
0x1e: {  	v0 =	vld [tilespmem:s4+$0x0];
	_ =	sdelay $0x4  }
0x1f: {  	v0 =	vsub.s32 v0, v7  }
0x20: {  	vm0 =	vgt.s32 v0, $0xFFFFFFF0  }
0x21: {  	v0 =	vnsel vm0, $0xFFFFFFF0, v0  }
0x22: {  	s4 =	smul.u32 $0x600, s17;
	vm0 =	vlt.s32 v0, $0x10  }
0x23: {  	v3 =	vld [tilespmem:s1+$0x0];
	v0 =	vnsel vm0, $0x10, v0  }
0x24: {  	v4 =	vmov s4;
	s5 =	sor.u32 $0x80, s4;
	v13 =	vadd.s32 $0x10, v0  }
0x25: {  	s26 =	simm.s32 $0x20;
	s18 =	sadd.s32 $0x500, s4;
	s20 =	sadd.s32 $0x580, s4;
	v5 =	vmov s5;
	v9 =	vor.u32 v4, v13  }
0x26: {  	s10 =	sor.u32 $0x100, s4;
	s22 =	sor.u32 $0x180, s4;
	v2 =	vmov s20;
	s20 =	sand.u32 $0x60, s26;
	v0 =	vmov s18;
	v10 =	vor.u32 v5, v13  }
0x27: {  	s6 =	sand.u32 $0x780, s26;
	v6 =	vmov s10;
	v8 =	vmov s22;
	s22 =	sor.u32 $0x10, s20;
	v11 =	vor.u32 v0, v13  }
0x28: {  	v61 =	vld [tilespmem:s26+$0x0];
	s21 =	sadd.s32 $0x400, s4;
	v15 =	vsub.s32 v3, v7;
	s10 =	sor.u32 s22, s6;
	v12 =	vor.u32 v6, v13  }
0x29: {  	v1 =	vmov s21;
	v20 =	vld [tilespmem:s10+$0x0];
	vm0 =	vgt.s32 v15, $0xFFFFFFF0;
	v14 =	vor.u32 v2, v13  }
0x2a: {  	s24 =	sadd.s32 $0x300, s4;
	v15 =	vnsel vm0, $0xFFFFFFF0, v15;
	v17 =	vor.u32 v1, v13;
	v16 =	vld.idx.msk [tilespmem:v9+s12+$0x0], $0xffff  }
0x2b: {  	s23 =	sadd.s32 $0x200, s4;
	v3 =	vmov s24;
	v18 =	vor.u32 v8, v13;
	vm0 =	vlt.s32 v15, $0x10;
	v21 =	vld.idx.msk [tilespmem:v10+s12+$0x0], $0xffff  }
0x2c: {  	v15 =	vnsel vm0, $0x10, v15;
	v9 =	vmov s23;
	v22 =	vld.idx.msk [tilespmem:v11+s12+$0x0], $0xffff;
	v11 =	vor.u32 v3, v13  }
0x2d: {  	s25 =	sadd.s32 $0x280, s4;
	v15 =	vadd.s32 $0x10, v15;
	v28 =	vld.idx.msk [tilespmem:v12+s12+$0x0], $0xffff;
	v19 =	vor.u32 v9, v13  }
0x2e: {  	v10 =	vmov s25;
	v25 =	vld.idx.msk [tilespmem:v14+s12+$0x0], $0xffff;
	v14 =	vor.u32 v4, v15  }
0x2f: {  	v27 =	vld.idx.msk [tilespmem:v17+s12+$0x0], $0xffff;
	v12 =	vor.u32 v10, v13  }
0x30: {  	v29 =	vld.idx.msk [tilespmem:v18+s12+$0x0], $0xffff;
	v17 =	vor.u32 v5, v15  }
0x31: {  	v18 =	vor.u32 v6, v15;
	v31 =	vld.idx.msk [tilespmem:v11+s12+$0x0], $0xffff  }
0x32: {  	s18 =	sadd.s32 $0x480, s4;
	v23 =	vld.idx.msk [tilespmem:v19+s12+$0x0], $0xffff;
	v19 =	vor.u32 v8, v15  }
0x33: {  	s4 =	sadd.s32 $0x380, s4;
	v24 =	vor.u32 v9, v15;
	v11 =	vmov s18;
	v14 =	vld.idx.msk [tilespmem:v14+s12+$0x0], $0xffff  }
0x34: {  	v26 =	vld.idx.msk [tilespmem:v12+s12+$0x0], $0xffff;
	v12 =	vmov s4;
	v30 =	vor.u32 v11, v13  }
0x35: {  	v17 =	vld.idx.msk [tilespmem:v17+s12+$0x0], $0xffff;
	v32 =	vor.u32 v12, v13  }
0x36: {  	v18 =	vld.idx.msk [tilespmem:v18+s12+$0x0], $0xffff;
	s18 =	sshll.u32 s19, $0xF;
	v35 =	vor.u32 v11, v15  }
0x37: {  	s1 =	sand.u32 $0x3C00, s1;
	s21 =	sor.u32 $0x3800, s18;
	v59 =	vor.u32 v12, v15;
	v13 =	vld.idx.msk [tilespmem:v19+s12+$0x0], $0xffff;
	v19 =	vsub.s32 v20, v7  }
0x38: {  	v33 =	vor.u32 v10, v15;
	s10 =	sadd.s32 s1, s21;
	v20 =	vld.idx.msk [tilespmem:v24+s12+$0x0], $0xffff;
	vm0 =	vgt.s32 v19, $0xFFFFFFF0  }
0x39: {  	v36 =	vor.u32 v0, v15;
	s6 =	sadd.s32 s0, s10;
	v30 =	vld.idx.msk [tilespmem:v30+s12+$0x0], $0xffff;
	v24 =	vnsel vm0, $0xFFFFFFF0, v19  }
0x3a: {  	v60 =	vor.u32 v3, v15;
	s1 =	sadd.s32 $0x4000, s10;
	v37 =	vld.idx.msk [tilespmem:v32+s12+$0x0], $0xffff;
	[tilespmem:s6+$0x200] =	vst v23;
	vm0 =	vlt.s32 v24, $0x10  }
0x3b: {  	v34 =	vor.u32 v2, v15;
	v15 =	vor.u32 v1, v15;
	s0 =	sadd.s32 s0, s1;
	[tilespmem:s6+$0x280] =	vst v26;
	v26 =	vld.idx.msk [tilespmem:v35+s12+$0x0], $0xffff;
	v23 =	vnsel vm0, $0x10, v24  }
0x3c: {  	v32 =	vld.idx.msk [tilespmem:v59+s12+$0x0], $0xffff;
	[tilespmem:s0+$0x180] =	vst v25;
	v23 =	vadd.s32 $0x10, v23  }
0x3d: {  	v19 =	vld.idx.msk [tilespmem:v33+s12+$0x0], $0xffff;
	[tilespmem:s0+$0x0] =	vst v27;
	v62 =	vor.u32 v4, v23  }
0x3e: {  	v27 =	vld.idx.msk [tilespmem:v36+s12+$0x0], $0xffff;
	[tilespmem:s0+$0x100] =	vst v22;
	v38 =	vor.u32 v5, v23  }
0x3f: {  	v25 =	vld.idx.msk [tilespmem:v60+s12+$0x0], $0xffff;
	[tilespmem:s6+$0x180] =	vst v29;
	v22 =	vor.u32 v0, v23  }
0x40: {  	[tilespmem:s6+$0x100] =	vst v28;
	v28 =	vld.idx.msk [tilespmem:v15+s12+$0x0], $0xffff;
	v39 =	vor.u32 v6, v23  }
0x41: {  	s26 =	simm.s32 $0x100;
	[tilespmem:s6+$0x0] =	vst v16;
	v24 =	vld.idx.msk [tilespmem:v34+s12+$0x0], $0xffff;
	v34 =	vor.u32 v2, v23  }
0x42: {  	v63 =	vsub.s32 v61, v7;
	s25 =	sand.u32 $0x3C00, s26;
	[tilespmem:s0+$0x80] =	vst v30;
	v35 =	vor.u32 v1, v23;
	v15 =	vld.idx.msk [tilespmem:v62+s12+$0x0], $0xffff  }
0x43: {  	s29 =	simm.s32 $0x2;
	s23 =	sadd.s32 s25, s21;
	vm0 =	vgt.s32 v63, $0xFFFFFFF0;
	v29 =	vor.u32 v8, v23;
	[tilespmem:s6+$0x80] =	vst v21;
	v16 =	vld.idx.msk [tilespmem:v38+s12+$0x0], $0xffff  }
0x44: {  	s31 =	simm.s32 $0x40;
	s25 =	sadd.s32 $0x4000, s23;
	s10 =	sadd.s32 s30, s10;
	v36 =	vnsel vm0, $0xFFFFFFF0, v63;
	v30 =	vor.u32 v9, v23;
	[tilespmem:s6+$0x300] =	vst v31;
	v22 =	vld.idx.msk [tilespmem:v22+s12+$0x0], $0xffff  }
0x45: {  	s28 =	sadd.s32 s30, s1;
	s24 =	sadd.s32 s20, s25;
	s1 =	simm.s32 $0x40;
	v31 =	vor.u32 v10, v23;
	v33 =	vor.u32 v3, v23;
	vm0 =	vlt.s32 v36, $0x10;
	[tilespmem:s6+$0x380] =	vst v37;
	v21 =	vld.idx.msk [tilespmem:v39+s12+$0x0], $0xffff  }
.LBB2_3:
0x46: {  	s0 =	sand.u32 $0x60, s31;
	s29 =	sadd.s32 $0x2, s29;
	v36 =	vnsel vm0, $0x10, v36;
	v34 =	vld.idx.msk [tilespmem:v34+s12+$0x0], $0xffff;
	s26 =	sadd.s32 $0x100, s26;
	[tilespmem:s10+$0x380] =	vst v32  }
0x47: {  	s5 =	sand.u32 $0x780, s31;
	s4 =	sor.u32 $0x10, s0;
	p0 =	slt.u32 s29, $0x7E;
	v32 =	vadd.s32 $0x10, v36;
	v35 =	vld.idx.msk [tilespmem:v35+s12+$0x0], $0xffff;
	[tilespmem:s28+$0x80] =	vst v26  }
0x48: {  	s30 =	smov.u32 s20;
	s6 =	sand.u32 $0x3C00, s26;
	s5 =	sor.u32 s4, s5;
	v26 =	vor.u32 v4, v32;
	v29 =	vld.idx.msk [tilespmem:v29+s12+$0x0], $0xffff;
	[tilespmem:s28+$0x100] =	vst v27  }
0x49: {  	s20 =	smov.u32 s0;
	s0 =	smov.u32 s23;
	v27 =	vor.u32 v5, v32;
	s23 =	sadd.s32 s6, s21;
	v30 =	vld.idx.msk [tilespmem:v30+s12+$0x0], $0xffff;
	[tilespmem:s28+$0x0] =	vst v28  }
0x4a: {  	s6 =	sadd.s32 $0x4000, s23;
	v28 =	vor.u32 v6, v32;
	v37 =	vld.idx.msk [tilespmem:v33+s12+$0x0], $0xffff;
	[tilespmem:s10+$0x200] =	vst v20  }
0x4b: {  	v20 =	vor.u32 v8, v32;
	v31 =	vld.idx.msk [tilespmem:v31+s12+$0x0], $0xffff;
	[tilespmem:s28+$0x180] =	vst v24;
	s28 =	smov.u32 s24;
	s24 =	sadd.s32 s20, s6  }
0x4c: {  	v33 =	vor.u32 v9, v32;
	v24 =	vld [tilespmem:s5+$0x0];
	[tilespmem:s10+$0x300] =	vst v25  }
0x4d: {  	v25 =	vld.idx.msk [tilespmem:v26+s12+$0x0], $0xffff;
	v26 =	vor.u32 v11, v23;
	[tilespmem:s10+$0x180] =	vst v13  }
0x4e: {  	v23 =	vor.u32 v12, v23;
	v27 =	vld.idx.msk [tilespmem:v27+s12+$0x0], $0xffff;
	[tilespmem:s10+$0x0] =	vst v14  }
0x4f: {  	v36 =	vor.u32 v10, v32;
	v28 =	vld.idx.msk [tilespmem:v28+s12+$0x0], $0xffff;
	[tilespmem:s10+$0x80] =	vst v17  }
0x50: {  	v38 =	vor.u32 v2, v32;
	v13 =	vld.idx.msk [tilespmem:v20+s12+$0x0], $0xffff;
	[tilespmem:s10+$0x100] =	vst v18  }
0x51: {  	v17 =	vsub.s32 v24, v7;
	v20 =	vld.idx.msk [tilespmem:v33+s12+$0x0], $0xffff;
	v33 =	vor.u32 v11, v32;
	[tilespmem:s10+$0x280] =	vst v19  }
0x52: {  	vm0 =	vgt.s32 v17, $0xFFFFFFF0;
	v39 =	vld.idx.msk [tilespmem:v26+s12+$0x0], $0xffff  }
0x53: {  	v40 =	vor.u32 v0, v32;
	s5 =	sadd.s32 s22, s0;
	v14 =	vmov v25;
	v26 =	vnsel vm0, $0xFFFFFFF0, v17;
	v41 =	vld.idx.msk [tilespmem:v23+s12+$0x0], $0xffff  }
0x54: {  	v25 =	vor.u32 v12, v32;
	vm0 =	vlt.s32 v26, $0x10;
	v19 =	vld.idx.msk [tilespmem:v36+s12+$0x0], $0xffff;
	[tilespmem:s5+$0x200] =	vst v30;
	v17 =	vmov v27  }
0x55: {  	s10 =	sadd.s32 s22, s25;
	s22 =	smov.u32 s4;
	s25 =	smov.u32 s6;
	v30 =	vor.u32 v3, v32;
	v18 =	vmov v28;
	v23 =	vnsel vm0, $0x10, v26;
	v24 =	vld.idx.msk [tilespmem:v38+s12+$0x0], $0xffff;
	[tilespmem:s5+$0x280] =	vst v31  }
0x56: {  	v28 =	vor.u32 v1, v32;
	v23 =	vadd.s32 $0x10, v23;
	v26 =	vld.idx.msk [tilespmem:v33+s12+$0x0], $0xffff;
	[tilespmem:s10+$0x180] =	vst v34  }
0x57: {  	v31 =	vld [tilespmem:s1+$0x0];
	v33 =	vor.u32 v4, v23;
	[tilespmem:s10+$0x0] =	vst v35  }
0x58: {  	v36 =	vor.u32 v5, v23;
	v34 =	vor.u32 v2, v23;
	v27 =	vld.idx.msk [tilespmem:v40+s12+$0x0], $0xffff;
	[tilespmem:s10+$0x100] =	vst v22  }
0x59: {  	v38 =	vor.u32 v6, v23;
	v22 =	vor.u32 v0, v23;
	v32 =	vld.idx.msk [tilespmem:v25+s12+$0x0], $0xffff;
	[tilespmem:s5+$0x180] =	vst v29  }
0x5a: {  	v29 =	vor.u32 v8, v23;
	v25 =	vld.idx.msk [tilespmem:v30+s12+$0x0], $0xffff;
	[tilespmem:s5+$0x100] =	vst v21  }
.Ltmp0:
0x5b: {  	v30 =	vor.u32 v9, v23;
	v28 =	vld.idx.msk [tilespmem:v28+s12+$0x0], $0xffff;
	[tilespmem:s5+$0x0] =	vst v15;
	(pc) =	sbr.rel @p0 .LBB2_3-.Ltmp0, $4  }
0x5c: {  	v35 =	vor.u32 v1, v23;
	v21 =	vsub.s32 v31, v7;
	v15 =	vld.idx.msk [tilespmem:v33+s12+$0x0], $0xffff;
	[tilespmem:s10+$0x80] =	vst v39  }
0x5d: {  	v31 =	vor.u32 v10, v23;
	vm0 =	vgt.s32 v21, $0xFFFFFFF0;
	[tilespmem:s5+$0x80] =	vst v16;
	v16 =	vld.idx.msk [tilespmem:v36+s12+$0x0], $0xffff  }
0x5e: {  	v33 =	vor.u32 v3, v23;
	v36 =	vnsel vm0, $0xFFFFFFF0, v21;
	v22 =	vld.idx.msk [tilespmem:v22+s12+$0x0], $0xffff;
	[tilespmem:s5+$0x300] =	vst v37  }
0x5f: {  	s31 =	sadd.s32 $0x20, s31;
	s1 =	sadd.s32 $0x20, s1;
	s10 =	sadd.s32 s30, s0;
	vm0 =	vlt.s32 v36, $0x10;
	v21 =	vld.idx.msk [tilespmem:v38+s12+$0x0], $0xffff;
	[tilespmem:s5+$0x380] =	vst v41  }
0x60: {  	[tilespmem:s10+$0x380] =	vst v32  }
0x61: {  	[tilespmem:s28+$0x80] =	vst v26  }
0x62: {  	[tilespmem:s28+$0x100] =	vst v27  }
0x63: {  	[tilespmem:s28+$0x0] =	vst v28  }
0x64: {  	[tilespmem:s10+$0x200] =	vst v20  }
0x65: {  	v7 =	vld.idx.msk [tilespmem:v34+s12+$0x0], $0xffff;
	[tilespmem:s28+$0x180] =	vst v24  }
0x66: {  	v50 =	vnsel vm0, $0x10, v36;
	v51 =	vld.idx.msk [tilespmem:v35+s12+$0x0], $0xffff;
	v52 =	vor.u32 v11, v23;
	[tilespmem:s10+$0x300] =	vst v25  }
0x67: {  	v54 =	vor.u32 v12, v23;
	v55 =	vld.idx.msk [tilespmem:v30+s12+$0x0], $0xffff;
	v20 =	vadd.s32 $0x10, v50;
	[tilespmem:s10+$0x180] =	vst v13  }
0x68: {  	v56 =	vld.idx.msk [tilespmem:v31+s12+$0x0], $0xffff;
	v4 =	vor.u32 v4, v20;
	[tilespmem:s10+$0x0] =	vst v14  }
0x69: {  	v53 =	vld.idx.msk [tilespmem:v29+s12+$0x0], $0xffff;
	v5 =	vor.u32 v5, v20;
	[tilespmem:s10+$0x80] =	vst v17  }
0x6a: {  	v57 =	vld.idx.msk [tilespmem:v33+s12+$0x0], $0xffff;
	v6 =	vor.u32 v6, v20;
	[tilespmem:s10+$0x100] =	vst v18  }
0x6b: {  	s0 =	sadd.s32 s22, s23;
	v8 =	vor.u32 v8, v20;
	[tilespmem:s10+$0x280] =	vst v19;
	v58 =	vld.idx.msk [tilespmem:v52+s12+$0x0], $0xffff  }
0x6c: {  	v9 =	vor.u32 v9, v20;
	v59 =	vld.idx.msk [tilespmem:v54+s12+$0x0], $0xffff;
	[tilespmem:s0+$0x200] =	vst v55  }
0x6d: {  	s1 =	sadd.s32 s22, s25;
	v10 =	vor.u32 v10, v20;
	[tilespmem:s0+$0x280] =	vst v56;
	v4 =	vld.idx.msk [tilespmem:v4+s12+$0x0], $0xffff  }
0x6e: {  	v60 =	vor.u32 v12, v20;
	[tilespmem:s1+$0x180] =	vst v7;
	v5 =	vld.idx.msk [tilespmem:v5+s12+$0x0], $0xffff  }
0x6f: {  	v62 =	vor.u32 v11, v20;
	[tilespmem:s1+$0x0] =	vst v51;
	v6 =	vld.idx.msk [tilespmem:v6+s12+$0x0], $0xffff  }
0x70: {  	v0 =	vor.u32 v0, v20;
	[tilespmem:s1+$0x100] =	vst v22;
	v61 =	vld.idx.msk [tilespmem:v8+s12+$0x0], $0xffff  }
0x71: {  	v1 =	vor.u32 v1, v20;
	[tilespmem:s0+$0x180] =	vst v53;
	v9 =	vld.idx.msk [tilespmem:v9+s12+$0x0], $0xffff  }
0x72: {  	v2 =	vor.u32 v2, v20;
	[tilespmem:s0+$0x100] =	vst v21;
	v10 =	vld.idx.msk [tilespmem:v10+s12+$0x0], $0xffff  }
0x73: {  	v3 =	vor.u32 v3, v20;
	[tilespmem:s0+$0x0] =	vst v15;
	v63 =	vld.idx.msk [tilespmem:v60+s12+$0x0], $0xffff  }
0x74: {  	v8 =	vld.idx.msk [tilespmem:v62+s12+$0x0], $0xffff;
	[tilespmem:s1+$0x80] =	vst v58  }
0x75: {  	v0 =	vld.idx.msk [tilespmem:v0+s12+$0x0], $0xffff;
	[tilespmem:s0+$0x80] =	vst v16  }
0x76: {  	v1 =	vld.idx.msk [tilespmem:v1+s12+$0x0], $0xffff;
	[tilespmem:s0+$0x300] =	vst v57  }
0x77: {  	s29 =	sadd.s32 s20, s23;
	v2 =	vld.idx.msk [tilespmem:v2+s12+$0x0], $0xffff;
	[tilespmem:s0+$0x380] =	vst v59  }
0x78: {  	v3 =	vld.idx.msk [tilespmem:v3+s12+$0x0], $0xffff;
	[tilespmem:s29+$0x380] =	vst v63  }
0x79: {  	[tilespmem:s24+$0x80] =	vst v8  }
0x7a: {  	[tilespmem:s24+$0x100] =	vst v0  }
0x7b: {  	[tilespmem:s24+$0x0] =	vst v1  }
0x7c: {  	[tilespmem:s29+$0x200] =	vst v9  }
0x7d: {  	[tilespmem:s24+$0x180] =	vst v2  }
0x7e: {  	[tilespmem:s29+$0x300] =	vst v3  }
0x7f: {  	[tilespmem:s29+$0x180] =	vst v61  }
0x80: {  	s30 =	sshll.u32 s17, $0x7;
	[tilespmem:s29+$0x0] =	vst v4  }
0x81: {  	s0 =	sadd.s32 s7, s30;
	[tilespmem:s29+$0x80] =	vst v5  }
0x82: {  	s4 =	sshrl.u32 s0, $0x3;
	[tilespmem:s29+$0x100] =	vst v6  }
0x83: {  	s0 =	sadd.s32 $0x1, s19;
	s1 =	sadd.s32 s2, s4;
	[tilespmem:s29+$0x280] =	vst v10  }
0x84: {  	[hbm4b:s1+s9] =	stream.strided.scatter [tilespmem:s21], [sflag:s0], $0x400, s13, s9, $0x38;
	[tilespmem:$0x13800] =	vst v63  }
0x85: {  	s31 =	sadd.s32 $0x3C00, s18;
	s5 =	sadd.s32 $0x80, s1  }
0x86: {  	[hbm4b:s5+s9] =	stream.strided.scatter [tilespmem:s31], [sflag:s0], $0x400, s13, s9, $0x38;
	[tilespmem:$0x13800] =	vst v63  }
0x87: {  	s6 =	sadd.s32 $0x4000, s18;
	s10 =	sadd.s32 $0x100, s1  }
0x88: {  	[hbm4b:s10+s9] =	stream.strided.scatter [tilespmem:s6], [sflag:s0], $0x400, s13, s9, $0x38;
	[tilespmem:$0x13800] =	vst v63  }
0x89: {  	s19 =	sadd.s32 $0x4400, s18;
	s20 =	sadd.s32 $0x180, s1  }
0x8a: {  	[hbm4b:s20+s9] =	stream.strided.scatter [tilespmem:s19], [sflag:s0], $0x400, s13, s9, $0x38;
	[tilespmem:$0x13800] =	vst v63  }
0x8b: {  	s22 =	sadd.s32 $0x200, s1;
	s21 =	sadd.s32 $0x4800, s18  }
0x8c: {  	[hbm4b:s22+s9] =	stream.strided.scatter [tilespmem:s21], [sflag:s0], $0x400, s13, s9, $0x38;
	[tilespmem:$0x13800] =	vst v63  }
0x8d: {  	s23 =	sadd.s32 $0x4C00, s18;
	s24 =	sadd.s32 $0x280, s1  }
0x8e: {  	[hbm4b:s24+s9] =	stream.strided.scatter [tilespmem:s23], [sflag:s0], $0x400, s13, s9, $0x38;
	[tilespmem:$0x13800] =	vst v63  }
0x8f: {  	s25 =	sadd.s32 $0x5000, s18;
	s26 =	sadd.s32 $0x300, s1  }
0x90: {  	[hbm4b:s26+s9] =	stream.strided.scatter [tilespmem:s25], [sflag:s0], $0x400, s13, s9, $0x38;
	[tilespmem:$0x13800] =	vst v63  }
0x91: {  	s28 =	sadd.s32 $0x5400, s18;
	s29 =	sadd.s32 $0x380, s1  }
0x92: {  	[hbm4b:s29+s9] =	stream.strided.scatter [tilespmem:s28], [sflag:s0], $0x400, s13, s9, $0x38;
	[tilespmem:$0x13800] =	vst v63  }
0x93: {  	s30 =	sadd.s32 $0x5800, s18;
	s31 =	sadd.s32 $0x400, s1  }
0x94: {  	[hbm4b:s31+s9] =	stream.strided.scatter [tilespmem:s30], [sflag:s0], $0x400, s13, s9, $0x38;
	[tilespmem:$0x13800] =	vst v63  }
0x95: {  	s6 =	sadd.s32 $0x5C00, s18;
	s10 =	sadd.s32 $0x480, s1  }
0x96: {  	[hbm4b:s10+s9] =	stream.strided.scatter [tilespmem:s6], [sflag:s0], $0x400, s13, s9, $0x38;
	[tilespmem:$0x13800] =	vst v63  }
0x97: {  	s19 =	sadd.s32 $0x6000, s18;
	s20 =	sadd.s32 $0x500, s1  }
0x98: {  	[hbm4b:s20+s9] =	stream.strided.scatter [tilespmem:s19], [sflag:s0], $0x400, s13, s9, $0x38;
	[tilespmem:$0x13800] =	vst v63  }
0x99: {  	s21 =	sadd.s32 $0x6400, s18;
	s22 =	sadd.s32 $0x580, s1  }
0x9a: {  	[hbm4b:s22+s9] =	stream.strided.scatter [tilespmem:s21], [sflag:s0], $0x400, s13, s9, $0x38;
	[tilespmem:$0x13800] =	vst v63  }
0x9b: {  	s23 =	sadd.s32 $0x6800, s18;
	s24 =	sadd.s32 $0x600, s1  }
0x9c: {  	[hbm4b:s24+s9] =	stream.strided.scatter [tilespmem:s23], [sflag:s0], $0x400, s13, s9, $0x38;
	[tilespmem:$0x13800] =	vst v63  }
0x9d: {  	s25 =	sadd.s32 $0x6C00, s18;
	s26 =	sadd.s32 $0x680, s1  }
0x9e: {  	[hbm4b:s26+s9] =	stream.strided.scatter [tilespmem:s25], [sflag:s0], $0x400, s13, s9, $0x38;
	[tilespmem:$0x13800] =	vst v63  }
0x9f: {  	s28 =	sadd.s32 $0x7000, s18;
	s29 =	sadd.s32 $0x700, s1  }
0xa0: {  	[hbm4b:s29+s9] =	stream.strided.scatter [tilespmem:s28], [sflag:s0], $0x400, s13, s9, $0x38;
	[tilespmem:$0x13800] =	vst v63  }
0xa1: {  	s30 =	sadd.s32 $0x7400, s18;
	s31 =	sadd.s32 $0x780, s1  }
0xa2: {  	[hbm4b:s31+s9] =	stream.strided.scatter [tilespmem:s30], [sflag:s0], $0x400, s13, s9, $0x38;
	[tilespmem:$0x13800] =	vst v63  }
0xa3: {  	s5 =	sadd.s32 $0x7800, s18;
	s1 =	sadd.s32 $0x10000, s1  }
0xa4: {  	[hbm4b:s1+s9] =	stream.strided.scatter [tilespmem:s5], [sflag:s0], $0x200, s13, s9, $0x38;
	[tilespmem:$0x13800] =	vst v63  }
0xa5: {  	s6 =	sadd.s32 $0x7C00, s18;
	s10 =	sadd.s32 $0x80, s1  }
0xa6: {  	[hbm4b:s10+s9] =	stream.strided.scatter [tilespmem:s6], [sflag:s0], $0x200, s13, s9, $0x38;
	[tilespmem:$0x13800] =	vst v63  }
0xa7: {  	s19 =	sadd.s32 $0x8000, s18;
	s20 =	sadd.s32 $0x100, s1  }
0xa8: {  	[hbm4b:s20+s9] =	stream.strided.scatter [tilespmem:s19], [sflag:s0], $0x200, s13, s9, $0x38;
	[tilespmem:$0x13800] =	vst v63  }
0xa9: {  	s21 =	sadd.s32 $0x8400, s18;
	s22 =	sadd.s32 $0x180, s1  }
0xaa: {  	[hbm4b:s22+s9] =	stream.strided.scatter [tilespmem:s21], [sflag:s0], $0x200, s13, s9, $0x38;
	[tilespmem:$0x13800] =	vst v63  }
0xab: {  	s23 =	sadd.s32 $0x8800, s18;
	s24 =	sadd.s32 $0x200, s1  }
0xac: {  	[hbm4b:s24+s9] =	stream.strided.scatter [tilespmem:s23], [sflag:s0], $0x200, s13, s9, $0x38;
	[tilespmem:$0x13800] =	vst v63  }
0xad: {  	s25 =	sadd.s32 $0x8C00, s18;
	s26 =	sadd.s32 $0x280, s1  }
0xae: {  	[hbm4b:s26+s9] =	stream.strided.scatter [tilespmem:s25], [sflag:s0], $0x200, s13, s9, $0x38;
	[tilespmem:$0x13800] =	vst v63  }
0xaf: {  	s28 =	sadd.s32 $0x9000, s18;
	s29 =	sadd.s32 $0x300, s1  }
0xb0: {  	[hbm4b:s29+s9] =	stream.strided.scatter [tilespmem:s28], [sflag:s0], $0x200, s13, s9, $0x38;
	[tilespmem:$0x13800] =	vst v63  }
0xb1: {  	s30 =	sadd.s32 $0x9400, s18;
	s31 =	sadd.s32 $0x380, s1  }
0xb2: {  	[hbm4b:s31+s9] =	stream.strided.scatter [tilespmem:s30], [sflag:s0], $0x200, s13, s9, $0x38;
	[tilespmem:$0x13800] =	vst v63  }
0xb3: {  	s5 =	sadd.s32 $0x9800, s18;
	s6 =	sadd.s32 $0x400, s1  }
0xb4: {  	[hbm4b:s6+s9] =	stream.strided.scatter [tilespmem:s5], [sflag:s0], $0x200, s13, s9, $0x38;
	[tilespmem:$0x13800] =	vst v63  }
0xb5: {  	s10 =	sadd.s32 $0x9C00, s18;
	s19 =	sadd.s32 $0x480, s1  }
0xb6: {  	[hbm4b:s19+s9] =	stream.strided.scatter [tilespmem:s10], [sflag:s0], $0x200, s13, s9, $0x38;
	[tilespmem:$0x13800] =	vst v63  }
0xb7: {  	s20 =	sadd.s32 $0xA000, s18;
	s21 =	sadd.s32 $0x500, s1  }
0xb8: {  	[hbm4b:s21+s9] =	stream.strided.scatter [tilespmem:s20], [sflag:s0], $0x200, s13, s9, $0x38;
	[tilespmem:$0x13800] =	vst v63  }
0xb9: {  	s22 =	sadd.s32 $0xA400, s18;
	s23 =	sadd.s32 $0x580, s1  }
0xba: {  	[hbm4b:s23+s9] =	stream.strided.scatter [tilespmem:s22], [sflag:s0], $0x200, s13, s9, $0x38;
	[tilespmem:$0x13800] =	vst v63  }
0xbb: {  	s17 =	sadd.s32 $0x1, s17;
	s24 =	sadd.s32 $0xA800, s18;
	s25 =	sadd.s32 $0x600, s1  }
0xbc: {  	[hbm4b:s25+s9] =	stream.strided.scatter [tilespmem:s24], [sflag:s0], $0x200, s13, s9, $0x38;
	[tilespmem:$0x13800] =	vst v63  }
0xbd: {  	p0 =	sne.s32 s17, $0x8;
	s26 =	sadd.s32 $0xAC00, s18;
	s28 =	sadd.s32 $0x680, s1  }
0xbe: {  	[hbm4b:s28+s9] =	stream.strided.scatter [tilespmem:s26], [sflag:s0], $0x200, s13, s9, $0x38;
	[tilespmem:$0x13800] =	vst v63  }
.Ltmp1:
0xbf: {  	_ = 	snop;
	(pc) =	sbr.rel @p0 .LBB2_2-.Ltmp1, $4  }
0xc0: {  	s29 =	sadd.s32 $0xB000, s18;
	s30 =	sadd.s32 $0x700, s1  }
0xc1: {  	[hbm4b:s30+s9] =	stream.strided.scatter [tilespmem:s29], [sflag:s0], $0x200, s13, s9, $0x38;
	[tilespmem:$0x13800] =	vst v63  }
0xc2: {  	s31 =	sadd.s32 $0xB400, s18;
	s1 =	sadd.s32 $0x780, s1  }
0xc3: {  	[hbm4b:s1+s9] =	stream.strided.scatter [tilespmem:s31], [sflag:s0], $0x200, s13, s9, $0x38;
	[tilespmem:$0x13800] =	vst v63  }
0xc4: {  	s16 =	sadd.s32 $0x1, s16  }
0xc5: {  	_ =	swait.ge [sflag:s14], $0x6000;
	p0 =	sne.s32 s16, s8  }
.Ltmp2:
0xc6: {  	[sflag:s14] =	ssyncset.done $0x0;
	(pc) =	sbr.rel @p0 .LBB2_1-.Ltmp2, $4  }
0xc7: {  	[sflag:s14] =	ssyncadd.s32 $0xFFFFA000  }
0xc8: {  	_ =	swait.ge [sflag:s15], $0x6000  }
0xc9: {  	[sflag:s15] =	ssyncset.done $0x0  }
0xca: {  	[sflag:s15] =	ssyncadd.s32 $0xFFFFA000  }
0xcb: {  	_ =	sfence.sel $0x180000  }
0xcc: {  	[bflag:$0x0] =	sbarrier.arrive $0xFFFF  }
0xcd: {  	_ =	strace $0x90000047  }
0xce: {  	s0 =	stileid.u32;
	[bflag:$0x2] =	sbarrier.arrive $0xFFFF  }
0xcf: {  	p0 =	sne.s32 s0, $0x0;
	s0 =	rddreg [dreg:$0x3]  }
0xd0: {  	s0 =	sadd.s32 @!p0 $0x100000, s0  }
0xd1: {  	[sflag:s0] =	ssyncadd.tile.s32 @!p0 $0x1;
	_ =	shalt  }
.Lfunc_end2:
_tile_overlayer_lowered:
.L_overlay_start_2:
0xd2: {  	(tag) =	ssettag $0x2  }
0xd3: {  	s0 =	rddreg [dreg:$0x0];
	s2 =	stileid.u32  }
0xd4: {  	s1 =	rddreg [dreg:$0x1];
	p0 =	sne.s32 s2, $0x0  }
0xd5: {  	s3 =	rddreg [dreg:$0x2];
	[bflag:$0x3] =	sbarrier.arrive $0xFFFF;
	s2 =	simm.s32 @!p0 $0x1C03  }
0xd6: {  	[timem:s3], [sflag:s2] =	dma.local @!p0 [hbm:s0], s1  }
0xd7: {  	s0 =	simm.s32 @!p0 $0x3  }
0xd8: {  	_ =	swait.ge @!p0 [sflag:s0], s1  }
0xd9: {  	s1 =	ssub.s32 @!p0 $0x0, s1;
	[sflag:s0] =	ssyncset.done @!p0 $0x0  }
0xda: {  	[sflag:s0] =	ssyncadd.s32 @!p0 s1  }
0xdb: {  	[bflag:$0x3] =	sbarrier.arrive $0xFFFF  }
0xdc: {  	_ =	shalt  }

</sc_bundles>
